<compile_context>
chip_gen: v7x
topology: tpu7x:2x2x1
jax: 0.10.2.dev20260603
libtpu: 0.0.44.dev20260713+nightly
codegen_flags: <defaults>
</compile_context>

<pallas_src>
import functools

import jax
import jax.numpy as jnp
from jax import lax
from jax.experimental import pallas as pl
from jax.experimental.pallas import tpu as pltpu
from jax.experimental.pallas import tpu_sc as plsc

F32 = jnp.float32

_NC = 1
_NS = 16
_B = 128


def _sc_aggregate(F, NP, KB, rows_per_tile):
    mesh = plsc.VectorSubcoreMesh(core_axis_name="c", subcore_axis_name="s",
                                  num_cores=_NC)

    @functools.partial(
        pl.kernel,
        out_type=jax.ShapeDtypeStruct((_NC, NP, F), F32),
        mesh=mesh,
        scratch_types=[
            pltpu.VMEM_SHARED((NP, F), F32),
            pltpu.VMEM((KB, _B), jnp.int32),
            pltpu.VMEM((KB, _B), jnp.int32),
            pltpu.VMEM((_B, F), F32),
            pltpu.VMEM((_B, F), F32),
            pltpu.SemaphoreType.DMA,
            pltpu.SemaphoreType.DMA,
        ],
        compiler_params=pltpu.CompilerParams(use_tc_tiling_on_sc=False),
    )
    def sc(y_hbm, srcb, dstb, zer, out, agg_sh, src_v, dst_v,
           rows_a, rows_b, sem_a, sem_b):
        cid = lax.axis_index("c")
        sid = lax.axis_index("s")
        wid = cid * _NS + sid
        r0 = sid * rows_per_tile
        pltpu.sync_copy(zer.at[pl.ds(r0, rows_per_tile)],
                        agg_sh.at[pl.ds(r0, rows_per_tile)])
        pltpu.sync_copy(srcb.at[wid], src_v)
        pltpu.sync_copy(dstb.at[wid], dst_v)
        plsc.subcore_barrier()

        def gather(j, buf, sem):
            return pltpu.make_async_copy(y_hbm.at[src_v.at[j]], buf, sem)

        def scatter(j, buf):
            pltpu.sync_copy(buf, agg_sh.at[dst_v.at[j]], add=True)

        assert KB % 2 == 1
        gather(0, rows_a, sem_a).start()

        def body(t, carry):
            j = 2 * t
            gather(j, rows_a, sem_a).wait()
            gather(j + 1, rows_b, sem_b).start()
            scatter(j, rows_a)
            gather(j + 1, rows_b, sem_b).wait()
            gather(j + 2, rows_a, sem_a).start()
            scatter(j + 1, rows_b)
            return carry

        lax.fori_loop(0, (KB - 1) // 2, body, 0)
        gather(KB - 1, rows_a, sem_a).wait()
        scatter(KB - 1, rows_a)
        plsc.subcore_barrier()
        pltpu.sync_copy(agg_sh.at[pl.ds(r0, rows_per_tile)],
                        out.at[cid, pl.ds(r0, rows_per_tile)])

    return sc


def _tc_a(x_ref, wae_ref, wrt_ref, yext_ref, z_ref):
    xb = x_ref[...]
    y = jnp.dot(xb, wae_ref[...], preferred_element_type=F32)
    cols = lax.broadcasted_iota(jnp.int32, y.shape, 1)
    yext_ref[...] = y + (cols == 64).astype(F32)
    z_ref[...] = jnp.dot(xb, wrt_ref[...], preferred_element_type=F32)


def _tc_b(agg_ref, z_ref, b1_ref, w2l_ref, w2r_ref, y2_ref, z2_ref):
    a = jnp.sum(agg_ref[...], axis=0)
    deg = jnp.maximum(a[:, 64:65], 1.0)
    h = jnp.maximum(a[:, :64] / deg + b1_ref[...] + z_ref[...], 0.0)
    y2_ref[...] = jnp.dot(h, w2l_ref[...], preferred_element_type=F32)
    z2_ref[...] = jnp.dot(h, w2r_ref[...], preferred_element_type=F32)


def _tc_c(agg1_ref, agg2_ref, z_ref, b2_ref, wl_ref, bl_ref, h_ref, out_ref):
    a1 = jnp.sum(agg1_ref[...], axis=0)
    a2 = jnp.sum(agg2_ref[...], axis=0)
    deg = jnp.maximum(a1[:, 64:65], 1.0)
    h = jnp.maximum(a2 / deg + b2_ref[...] + z_ref[...], 0.0)
    h_ref[...] = h
    out_ref[...] = jnp.dot(h, wl_ref[...], preferred_element_type=F32) + bl_ref[...]


def kernel(x, edge_index, W1l, b1, W1r, W2l, b2, W2r, Wlin, blin):
    N, D = x.shape
    H = W1l.shape[0]
    E = edge_index.shape[1]
    FE = 80

    NW = _NC * _NS
    KB = -(-E // (NW * _B))
    EP = NW * KB * _B
    rows_per_tile = -(-(N + 1) // _NS // 8) * 8
    NP = _NS * rows_per_tile

    src = edge_index[0]
    dst = edge_index[1]
    pad = EP - E
    srcb = jnp.concatenate([src, jnp.zeros((pad,), jnp.int32)]).reshape(NW, KB, _B)
    dstb = jnp.concatenate([dst, jnp.full((pad,), N, jnp.int32)]).reshape(NW, KB, _B)

    zer80 = jnp.zeros((NP, FE), F32)
    zer64 = jnp.zeros((NP, H), F32)
    wae = jnp.concatenate([W1l.T, jnp.zeros((D, FE - H), F32)], axis=1)

    BN = 2000
    NB = N // BN

    yext, z1 = pl.pallas_call(
        _tc_a,
        grid=(NB,),
        in_specs=[
            pl.BlockSpec((BN, D), lambda i: (i, 0)),
            pl.BlockSpec((D, FE), lambda i: (0, 0)),
            pl.BlockSpec((D, H), lambda i: (0, 0)),
        ],
        out_specs=[
            pl.BlockSpec((BN, FE), lambda i: (i, 0)),
            pl.BlockSpec((BN, H), lambda i: (i, 0)),
        ],
        out_shape=[
            jax.ShapeDtypeStruct((N, FE), F32),
            jax.ShapeDtypeStruct((N, H), F32),
        ],
    )(x, wae, W1r.T)

    agg1 = _sc_aggregate(FE, NP, KB, rows_per_tile)(yext, srcb, dstb, zer80)

    y2, z2 = pl.pallas_call(
        _tc_b,
        grid=(NB,),
        in_specs=[
            pl.BlockSpec((_NC, BN, FE), lambda i: (0, i, 0)),
            pl.BlockSpec((BN, H), lambda i: (i, 0)),
            pl.BlockSpec((1, H), lambda i: (0, 0)),
            pl.BlockSpec((H, H), lambda i: (0, 0)),
            pl.BlockSpec((H, H), lambda i: (0, 0)),
        ],
        out_specs=[
            pl.BlockSpec((BN, H), lambda i: (i, 0)),
            pl.BlockSpec((BN, H), lambda i: (i, 0)),
        ],
        out_shape=[
            jax.ShapeDtypeStruct((N, H), F32),
            jax.ShapeDtypeStruct((N, H), F32),
        ],
    )(agg1, z1, b1.reshape(1, H), W2l.T, W2r.T)

    agg2 = _sc_aggregate(H, NP, KB, rows_per_tile)(y2, srcb, dstb, zer64)

    h2, out2d = pl.pallas_call(
        _tc_c,
        grid=(NB,),
        in_specs=[
            pl.BlockSpec((_NC, BN, FE), lambda i: (0, i, 0)),
            pl.BlockSpec((_NC, BN, H), lambda i: (0, i, 0)),
            pl.BlockSpec((BN, H), lambda i: (i, 0)),
            pl.BlockSpec((1, H), lambda i: (0, 0)),
            pl.BlockSpec((H, 1), lambda i: (0, 0)),
            pl.BlockSpec((1, 1), lambda i: (0, 0)),
        ],
        out_specs=[
            pl.BlockSpec((BN, H), lambda i: (i, 0)),
            pl.BlockSpec((BN, 1), lambda i: (i, 0)),
        ],
        out_shape=[
            jax.ShapeDtypeStruct((N, H), F32),
            jax.ShapeDtypeStruct((N, 1), F32),
        ],
    )(agg1, agg2, z2, b2.reshape(1, H), Wlin.T, blin.reshape(1, 1))

    return (out2d[:, 0], h2)

# --- scband reference (transcript-rebuilt; emitter-appended) ---
"""Pipeline reference for scband-net-cost-gnn-49606872269111 (READ-ONLY COPY).

The authoritative reference and input builder live on the scoring server;
editing this copy changes nothing except your own understanding.
"""

import jax, jax.numpy as jnp
import numpy as np

N = 10000
E = 320000
D = 128
H = 64
OUT = 1


def setup_inputs(seed: int = 0) -> dict:
    key = jax.random.key(seed)
    ks = jax.random.split(key, 12)
    s_d = 1.0 / np.sqrt(D)
    s_h = 1.0 / np.sqrt(H)
    inp = {
        "x": jax.random.normal(ks[0], (N, D), dtype=jnp.float32),
        "edge_index": jax.random.randint(ks[1], (2, E), 0, N, dtype=jnp.int32),
        # SAGEConv1: lin_l (applied to aggregated neighbors, has bias), lin_r (root, no bias)
        "W1l": jax.random.normal(ks[2], (H, D), dtype=jnp.float32) * s_d,
        "b1": jnp.zeros((H,), dtype=jnp.float32),
        "W1r": jax.random.normal(ks[3], (H, D), dtype=jnp.float32) * s_d,
        # SAGEConv2
        "W2l": jax.random.normal(ks[4], (H, H), dtype=jnp.float32) * s_h,
        "b2": jnp.zeros((H,), dtype=jnp.float32),
        "W2r": jax.random.normal(ks[5], (H, H), dtype=jnp.float32) * s_h,
        # final Linear
        "Wlin": jax.random.normal(ks[6], (OUT, H), dtype=jnp.float32) * s_h,
        "blin": jnp.zeros((OUT,), dtype=jnp.float32),
    }
    return inp


def _sage_conv(x, Wl, bl, Wr, edge_index, num_nodes):
    # PyG SAGEConv (aggr='mean'): out = lin_l(mean_j x_j) + lin_r(x_i)
    src = edge_index[0]
    dst = edge_index[1]
    msg = jnp.take(x, src, axis=0)                                   # gather [E, d]
    agg = jax.ops.segment_sum(msg, dst, num_segments=num_nodes)      # scatter-add [N, d]
    deg = jax.ops.segment_sum(jnp.ones((msg.shape[0],), x.dtype), dst, num_segments=num_nodes)
    mean = agg / jnp.clip(deg, 1.0)[:, None]
    return mean @ Wl.T + bl + x @ Wr.T


def reference(x, edge_index, W1l, b1, W1r, W2l, b2, W2r, Wlin, blin):
    n = x.shape[0]
    h = jax.nn.relu(_sage_conv(x, W1l, b1, W1r, edge_index, n))
    h = jax.nn.relu(_sage_conv(h, W2l, b2, W2r, edge_index, n))
    out = h @ Wlin.T + blin
    return (out.squeeze(-1), h)

if __name__ == "__main__":
    import jax
    _d = setup_inputs()
    print(jax.jit(kernel)(*tuple(_d.values())))

</pallas_src>

<mosaic_0001>
#map = affine_map<(d0, d1) -> (0, 0)>
#map1 = affine_map<(d0, d1) -> (0, 0, 0)>
module attributes {stable_mosaic.version = 14 : i64} {
  func.func @sc(%arg0: i32, %arg1: i32, %arg2: memref<10000x80xf32, #tpu.memory_space<hbm>>, %arg3: memref<16x157x128xi32, #tpu.memory_space<hbm>>, %arg4: memref<16x157x128xi32, #tpu.memory_space<hbm>>, %arg5: memref<10112x80xf32, #tpu.memory_space<hbm>>, %arg6: memref<1x10112x80xf32, #tpu.memory_space<hbm>>, %arg7: memref<10112x80xf32, #tpu.memory_space<vmem_shared>>, %arg8: memref<157x128xi32, #tpu.memory_space<vmem>>, %arg9: memref<157x128xi32, #tpu.memory_space<vmem>>, %arg10: memref<128x80xf32, #tpu.memory_space<vmem>>, %arg11: memref<128x80xf32, #tpu.memory_space<vmem>>, %arg12: memref<!tpu.dma_semaphore, #tpu.memory_space<semaphore_mem>>, %arg13: memref<!tpu.dma_semaphore, #tpu.memory_space<semaphore_mem>>) attributes {dimension_semantics = [#tpu.dimension_semantics<core_parallel>, #tpu.dimension_semantics<subcore_parallel>], iteration_bounds = array<i64: 1, 16>, scalar_prefetch = 0 : i64, scratch_operands = 7 : i64, tpu.core_type = #tpu.core_type<sc_vector_subcore>, window_params = [{transform_indices = #map}, {transform_indices = #map1}, {transform_indices = #map1}, {transform_indices = #map}, {transform_indices = #map1}]} {
    %mul3A = arith.constant 16 : i32
    %mul3A_0 = arith.muli %arg0, %mul3A : i32
    %add3A = arith.addi %mul3A_0, %arg1 : i32
    %mul3A_1 = arith.constant 632 : i32
    %mul3A_2 = arith.muli %arg1, %mul3A_1 : i32
    "tpu.region"() ({
      %run_scoped3A_21 = tpu.sem_alloc : memref<!tpu.dma_semaphore, #tpu.memory_space<semaphore_mem>>
      %dma_start3A_22 = arith.constant 0 : i32
      %dma_start3A_23 = tpu.memref_slice %arg7[%mul3A_2, %dma_start3A_22] : memref<10112x80xf32, #tpu.memory_space<vmem_shared>> -> memref<632x80xf32, #tpu.memory_space<vmem_shared>>
      %dma_start3A_24 = arith.constant 0 : i32
      %dma_start3A_25 = tpu.memref_slice %arg5[%mul3A_2, %dma_start3A_24] : memref<10112x80xf32, #tpu.memory_space<hbm>> -> memref<632x80xf32, #tpu.memory_space<hbm>>
      tpu.enqueue_dma source(%dma_start3A_25 : memref<632x80xf32, #tpu.memory_space<hbm>>) target(%dma_start3A_23 : memref<632x80xf32, #tpu.memory_space<vmem_shared>>) target_semaphore(%run_scoped3A_21 : memref<!tpu.dma_semaphore, #tpu.memory_space<semaphore_mem>>)
      %dma_wait3A_26 = arith.constant 0 : i32
      %dma_wait3A_27 = tpu.memref_slice %arg7[%mul3A_2, %dma_wait3A_26] : memref<10112x80xf32, #tpu.memory_space<vmem_shared>> -> memref<632x80xf32, #tpu.memory_space<vmem_shared>>
      %dma_wait3A_28 = arith.constant 0 : i32
      %dma_wait3A_29 = tpu.memref_slice %arg5[%mul3A_2, %dma_wait3A_28] : memref<10112x80xf32, #tpu.memory_space<hbm>> -> memref<632x80xf32, #tpu.memory_space<hbm>>
      tpu.wait_dma2 semaphore(%run_scoped3A_21 : memref<!tpu.dma_semaphore, #tpu.memory_space<semaphore_mem>>) src(%dma_wait3A_29 : memref<632x80xf32, #tpu.memory_space<hbm>>) dst(%dma_wait3A_27 : memref<632x80xf32, #tpu.memory_space<vmem_shared>>)
      tpu.yield
    }) : () -> ()
    "tpu.region"() ({
      %run_scoped3A_21 = tpu.sem_alloc : memref<!tpu.dma_semaphore, #tpu.memory_space<semaphore_mem>>
      %dma_start3A_22 = arith.constant 0 : i32
      %dma_start3A_23 = arith.constant 0 : i32
      %dma_start3A_24 = tpu.memref_slice %arg3[%add3A, %dma_start3A_22, %dma_start3A_23] : memref<16x157x128xi32, #tpu.memory_space<hbm>> -> memref<1x157x128xi32, #tpu.memory_space<hbm>>
      %dma_start3A_25 = tpu.memref_squeeze %dma_start3A_24 : memref<1x157x128xi32, #tpu.memory_space<hbm>> -> memref<157x128xi32, #tpu.memory_space<hbm>>
      %dma_start3A_26 = arith.constant 0 : i32
      %dma_start3A_27 = arith.constant 0 : i32
      %dma_start3A_28 = tpu.memref_slice %arg3[%add3A, %dma_start3A_26, %dma_start3A_27] : memref<16x157x128xi32, #tpu.memory_space<hbm>> -> memref<1x157x128xi32, #tpu.memory_space<hbm>>
      %dma_start3A_29 = tpu.memref_squeeze %dma_start3A_28 : memref<1x157x128xi32, #tpu.memory_space<hbm>> -> memref<157x128xi32, #tpu.memory_space<hbm>>
      tpu.enqueue_dma source(%dma_start3A_29 : memref<157x128xi32, #tpu.memory_space<hbm>>) target(%arg8 : memref<157x128xi32, #tpu.memory_space<vmem>>) target_semaphore(%run_scoped3A_21 : memref<!tpu.dma_semaphore, #tpu.memory_space<semaphore_mem>>)
      %dma_wait3A_30 = arith.constant 0 : i32
      %dma_wait3A_31 = arith.constant 0 : i32
      %dma_wait3A_32 = tpu.memref_slice %arg3[%add3A, %dma_wait3A_30, %dma_wait3A_31] : memref<16x157x128xi32, #tpu.memory_space<hbm>> -> memref<1x157x128xi32, #tpu.memory_space<hbm>>
      %dma_wait3A_33 = tpu.memref_squeeze %dma_wait3A_32 : memref<1x157x128xi32, #tpu.memory_space<hbm>> -> memref<157x128xi32, #tpu.memory_space<hbm>>
      %dma_wait3A_34 = arith.constant 0 : i32
      %dma_wait3A_35 = arith.constant 0 : i32
      %dma_wait3A_36 = tpu.memref_slice %arg3[%add3A, %dma_wait3A_34, %dma_wait3A_35] : memref<16x157x128xi32, #tpu.memory_space<hbm>> -> memref<1x157x128xi32, #tpu.memory_space<hbm>>
      %dma_wait3A_37 = tpu.memref_squeeze %dma_wait3A_36 : memref<1x157x128xi32, #tpu.memory_space<hbm>> -> memref<157x128xi32, #tpu.memory_space<hbm>>
      tpu.wait_dma2 semaphore(%run_scoped3A_21 : memref<!tpu.dma_semaphore, #tpu.memory_space<semaphore_mem>>) src(%dma_wait3A_37 : memref<157x128xi32, #tpu.memory_space<hbm>>) dst(%arg8 : memref<157x128xi32, #tpu.memory_space<vmem>>)
      tpu.yield
    }) : () -> ()
    "tpu.region"() ({
      %run_scoped3A_21 = tpu.sem_alloc : memref<!tpu.dma_semaphore, #tpu.memory_space<semaphore_mem>>
      %dma_start3A_22 = arith.constant 0 : i32
      %dma_start3A_23 = arith.constant 0 : i32
      %dma_start3A_24 = tpu.memref_slice %arg4[%add3A, %dma_start3A_22, %dma_start3A_23] : memref<16x157x128xi32, #tpu.memory_space<hbm>> -> memref<1x157x128xi32, #tpu.memory_space<hbm>>
      %dma_start3A_25 = tpu.memref_squeeze %dma_start3A_24 : memref<1x157x128xi32, #tpu.memory_space<hbm>> -> memref<157x128xi32, #tpu.memory_space<hbm>>
      %dma_start3A_26 = arith.constant 0 : i32
      %dma_start3A_27 = arith.constant 0 : i32
      %dma_start3A_28 = tpu.memref_slice %arg4[%add3A, %dma_start3A_26, %dma_start3A_27] : memref<16x157x128xi32, #tpu.memory_space<hbm>> -> memref<1x157x128xi32, #tpu.memory_space<hbm>>
      %dma_start3A_29 = tpu.memref_squeeze %dma_start3A_28 : memref<1x157x128xi32, #tpu.memory_space<hbm>> -> memref<157x128xi32, #tpu.memory_space<hbm>>
      tpu.enqueue_dma source(%dma_start3A_29 : memref<157x128xi32, #tpu.memory_space<hbm>>) target(%arg9 : memref<157x128xi32, #tpu.memory_space<vmem>>) target_semaphore(%run_scoped3A_21 : memref<!tpu.dma_semaphore, #tpu.memory_space<semaphore_mem>>)
      %dma_wait3A_30 = arith.constant 0 : i32
      %dma_wait3A_31 = arith.constant 0 : i32
      %dma_wait3A_32 = tpu.memref_slice %arg4[%add3A, %dma_wait3A_30, %dma_wait3A_31] : memref<16x157x128xi32, #tpu.memory_space<hbm>> -> memref<1x157x128xi32, #tpu.memory_space<hbm>>
      %dma_wait3A_33 = tpu.memref_squeeze %dma_wait3A_32 : memref<1x157x128xi32, #tpu.memory_space<hbm>> -> memref<157x128xi32, #tpu.memory_space<hbm>>
      %dma_wait3A_34 = arith.constant 0 : i32
      %dma_wait3A_35 = arith.constant 0 : i32
      %dma_wait3A_36 = tpu.memref_slice %arg4[%add3A, %dma_wait3A_34, %dma_wait3A_35] : memref<16x157x128xi32, #tpu.memory_space<hbm>> -> memref<1x157x128xi32, #tpu.memory_space<hbm>>
      %dma_wait3A_37 = tpu.memref_squeeze %dma_wait3A_36 : memref<1x157x128xi32, #tpu.memory_space<hbm>> -> memref<157x128xi32, #tpu.memory_space<hbm>>
      tpu.wait_dma2 semaphore(%run_scoped3A_21 : memref<!tpu.dma_semaphore, #tpu.memory_space<semaphore_mem>>) src(%dma_wait3A_37 : memref<157x128xi32, #tpu.memory_space<hbm>>) dst(%arg9 : memref<157x128xi32, #tpu.memory_space<vmem>>)
      tpu.yield
    }) : () -> ()
    %barrier3A = arith.constant 0 : index
    tpu.barrier barrier_id(%barrier3A)
    %dma_start3A = arith.constant 0 : i32
    %dma_start3A_3 = arith.constant 0 : i32
    %dma_start3A_4 = tpu.memref_slice %arg8[%dma_start3A, %dma_start3A_3] : memref<157x128xi32, #tpu.memory_space<vmem>> -> memref<1x128xi32, #tpu.memory_space<vmem>>
    %dma_start3A_5 = tpu.memref_squeeze %dma_start3A_4 : memref<1x128xi32, #tpu.memory_space<vmem>> -> memref<128xi32, #tpu.memory_space<vmem>>
    %dma_start3A_6 = arith.constant 0 : i32
    %dma_start3A_7 = arith.constant 0 : i32
    %dma_start3A_8 = tpu.memref_slice %arg2[%dma_start3A_6, %dma_start3A_7] : memref<10000x80xf32, #tpu.memory_space<hbm>> -> memref<10000x80xf32, #tpu.memory_space<hbm>>
    tpu.enqueue_indirect_dma source(%dma_start3A_8 : memref<10000x80xf32, #tpu.memory_space<hbm>>) target(%arg10 : memref<128x80xf32, #tpu.memory_space<vmem>>) offsets(%dma_start3A_5 : memref<128xi32, #tpu.memory_space<vmem>>) semaphore(%arg12 : memref<!tpu.dma_semaphore, #tpu.memory_space<semaphore_mem>>)
    %scan3A = arith.constant 0 : i32
    %scan3A_9 = arith.constant 0 : i32
    %scan3A_10 = arith.constant 78 : i32
    %scan3A_11 = arith.addi %scan3A_9, %scan3A_10 : i32
    %scan3A_12 = arith.constant 1 : i32
    scf.for %scan3A_21 = %scan3A_9 to %scan3A_11 step %scan3A_12  : i32 {
      %mul3A_22 = arith.constant 2 : i32
      %mul3A_23 = arith.muli %mul3A_22, %scan3A_21 : i32
      %dma_wait3A_24 = arith.constant 0 : i32
      %dma_wait3A_25 = tpu.memref_slice %arg8[%mul3A_23, %dma_wait3A_24] : memref<157x128xi32, #tpu.memory_space<vmem>> -> memref<1x128xi32, #tpu.memory_space<vmem>>
      %dma_wait3A_26 = tpu.memref_squeeze %dma_wait3A_25 : memref<1x128xi32, #tpu.memory_space<vmem>> -> memref<128xi32, #tpu.memory_space<vmem>>
      %dma_wait3A_27 = arith.constant 0 : i32
      %dma_wait3A_28 = arith.constant 0 : i32
      %dma_wait3A_29 = tpu.memref_slice %arg2[%dma_wait3A_27, %dma_wait3A_28] : memref<10000x80xf32, #tpu.memory_space<hbm>> -> memref<10000x80xf32, #tpu.memory_space<hbm>>
      tpu.wait_indirect_dma semaphore(%arg12 : memref<!tpu.dma_semaphore, #tpu.memory_space<semaphore_mem>>) src(%dma_wait3A_29 : memref<10000x80xf32, #tpu.memory_space<hbm>>) dst(%arg10 : memref<128x80xf32, #tpu.memory_space<vmem>>)
      %add3A_30 = arith.constant 1 : i32
      %add3A_31 = arith.addi %mul3A_23, %add3A_30 : i32
      %dma_start3A_32 = arith.constant 0 : i32
      %dma_start3A_33 = tpu.memref_slice %arg8[%add3A_31, %dma_start3A_32] : memref<157x128xi32, #tpu.memory_space<vmem>> -> memref<1x128xi32, #tpu.memory_space<vmem>>
      %dma_start3A_34 = tpu.memref_squeeze %dma_start3A_33 : memref<1x128xi32, #tpu.memory_space<vmem>> -> memref<128xi32, #tpu.memory_space<vmem>>
      %dma_start3A_35 = arith.constant 0 : i32
      %dma_start3A_36 = arith.constant 0 : i32
      %dma_start3A_37 = tpu.memref_slice %arg2[%dma_start3A_35, %dma_start3A_36] : memref<10000x80xf32, #tpu.memory_space<hbm>> -> memref<10000x80xf32, #tpu.memory_space<hbm>>
      tpu.enqueue_indirect_dma source(%dma_start3A_37 : memref<10000x80xf32, #tpu.memory_space<hbm>>) target(%arg11 : memref<128x80xf32, #tpu.memory_space<vmem>>) offsets(%dma_start3A_34 : memref<128xi32, #tpu.memory_space<vmem>>) semaphore(%arg13 : memref<!tpu.dma_semaphore, #tpu.memory_space<semaphore_mem>>)
      "tpu.region"() ({
        %run_scoped3A_56 = tpu.sem_alloc : memref<!tpu.dma_semaphore, #tpu.memory_space<semaphore_mem>>
        %dma_start3A_57 = arith.constant 0 : i32
        %dma_start3A_58 = tpu.memref_slice %arg9[%mul3A_23, %dma_start3A_57] : memref<157x128xi32, #tpu.memory_space<vmem>> -> memref<1x128xi32, #tpu.memory_space<vmem>>
        %dma_start3A_59 = tpu.memref_squeeze %dma_start3A_58 : memref<1x128xi32, #tpu.memory_space<vmem>> -> memref<128xi32, #tpu.memory_space<vmem>>
        %dma_start3A_60 = arith.constant 0 : i32
        %dma_start3A_61 = arith.constant 0 : i32
        %dma_start3A_62 = tpu.memref_slice %arg7[%dma_start3A_60, %dma_start3A_61] : memref<10112x80xf32, #tpu.memory_space<vmem_shared>> -> memref<10112x80xf32, #tpu.memory_space<vmem_shared>>
        tpu.enqueue_indirect_dma source(%arg10 : memref<128x80xf32, #tpu.memory_space<vmem>>) target(%dma_start3A_62 : memref<10112x80xf32, #tpu.memory_space<vmem_shared>>) offsets(%dma_start3A_59 : memref<128xi32, #tpu.memory_space<vmem>>) semaphore(%run_scoped3A_56 : memref<!tpu.dma_semaphore, #tpu.memory_space<semaphore_mem>>) {add = true}
        %dma_wait3A_63 = arith.constant 0 : i32
        %dma_wait3A_64 = tpu.memref_slice %arg9[%mul3A_23, %dma_wait3A_63] : memref<157x128xi32, #tpu.memory_space<vmem>> -> memref<1x128xi32, #tpu.memory_space<vmem>>
        %dma_wait3A_65 = tpu.memref_squeeze %dma_wait3A_64 : memref<1x128xi32, #tpu.memory_space<vmem>> -> memref<128xi32, #tpu.memory_space<vmem>>
        %dma_wait3A_66 = arith.constant 0 : i32
        %dma_wait3A_67 = arith.constant 0 : i32
        %dma_wait3A_68 = tpu.memref_slice %arg7[%dma_wait3A_66, %dma_wait3A_67] : memref<10112x80xf32, #tpu.memory_space<vmem_shared>> -> memref<10112x80xf32, #tpu.memory_space<vmem_shared>>
        tpu.wait_indirect_dma semaphore(%run_scoped3A_56 : memref<!tpu.dma_semaphore, #tpu.memory_space<semaphore_mem>>) src(%arg10 : memref<128x80xf32, #tpu.memory_space<vmem>>) dst(%dma_wait3A_68 : memref<10112x80xf32, #tpu.memory_space<vmem_shared>>)
        tpu.yield
      }) : () -> ()
      %add3A_38 = arith.constant 1 : i32
      %add3A_39 = arith.addi %mul3A_23, %add3A_38 : i32
      %dma_wait3A_40 = arith.constant 0 : i32
      %dma_wait3A_41 = tpu.memref_slice %arg8[%add3A_39, %dma_wait3A_40] : memref<157x128xi32, #tpu.memory_space<vmem>> -> memref<1x128xi32, #tpu.memory_space<vmem>>
      %dma_wait3A_42 = tpu.memref_squeeze %dma_wait3A_41 : memref<1x128xi32, #tpu.memory_space<vmem>> -> memref<128xi32, #tpu.memory_space<vmem>>
      %dma_wait3A_43 = arith.constant 0 : i32
      %dma_wait3A_44 = arith.constant 0 : i32
      %dma_wait3A_45 = tpu.memref_slice %arg2[%dma_wait3A_43, %dma_wait3A_44] : memref<10000x80xf32, #tpu.memory_space<hbm>> -> memref<10000x80xf32, #tpu.memory_space<hbm>>
      tpu.wait_indirect_dma semaphore(%arg13 : memref<!tpu.dma_semaphore, #tpu.memory_space<semaphore_mem>>) src(%dma_wait3A_45 : memref<10000x80xf32, #tpu.memory_space<hbm>>) dst(%arg11 : memref<128x80xf32, #tpu.memory_space<vmem>>)
      %add3A_46 = arith.constant 2 : i32
      %add3A_47 = arith.addi %mul3A_23, %add3A_46 : i32
      %dma_start3A_48 = arith.constant 0 : i32
      %dma_start3A_49 = tpu.memref_slice %arg8[%add3A_47, %dma_start3A_48] : memref<157x128xi32, #tpu.memory_space<vmem>> -> memref<1x128xi32, #tpu.memory_space<vmem>>
      %dma_start3A_50 = tpu.memref_squeeze %dma_start3A_49 : memref<1x128xi32, #tpu.memory_space<vmem>> -> memref<128xi32, #tpu.memory_space<vmem>>
      %dma_start3A_51 = arith.constant 0 : i32
      %dma_start3A_52 = arith.constant 0 : i32
      %dma_start3A_53 = tpu.memref_slice %arg2[%dma_start3A_51, %dma_start3A_52] : memref<10000x80xf32, #tpu.memory_space<hbm>> -> memref<10000x80xf32, #tpu.memory_space<hbm>>
      tpu.enqueue_indirect_dma source(%dma_start3A_53 : memref<10000x80xf32, #tpu.memory_space<hbm>>) target(%arg10 : memref<128x80xf32, #tpu.memory_space<vmem>>) offsets(%dma_start3A_50 : memref<128xi32, #tpu.memory_space<vmem>>) semaphore(%arg12 : memref<!tpu.dma_semaphore, #tpu.memory_space<semaphore_mem>>)
      %add3A_54 = arith.constant 1 : i32
      %add3A_55 = arith.addi %mul3A_23, %add3A_54 : i32
      "tpu.region"() ({
        %run_scoped3A_56 = tpu.sem_alloc : memref<!tpu.dma_semaphore, #tpu.memory_space<semaphore_mem>>
        %dma_start3A_57 = arith.constant 0 : i32
        %dma_start3A_58 = tpu.memref_slice %arg9[%add3A_55, %dma_start3A_57] : memref<157x128xi32, #tpu.memory_space<vmem>> -> memref<1x128xi32, #tpu.memory_space<vmem>>
        %dma_start3A_59 = tpu.memref_squeeze %dma_start3A_58 : memref<1x128xi32, #tpu.memory_space<vmem>> -> memref<128xi32, #tpu.memory_space<vmem>>
        %dma_start3A_60 = arith.constant 0 : i32
        %dma_start3A_61 = arith.constant 0 : i32
        %dma_start3A_62 = tpu.memref_slice %arg7[%dma_start3A_60, %dma_start3A_61] : memref<10112x80xf32, #tpu.memory_space<vmem_shared>> -> memref<10112x80xf32, #tpu.memory_space<vmem_shared>>
        tpu.enqueue_indirect_dma source(%arg11 : memref<128x80xf32, #tpu.memory_space<vmem>>) target(%dma_start3A_62 : memref<10112x80xf32, #tpu.memory_space<vmem_shared>>) offsets(%dma_start3A_59 : memref<128xi32, #tpu.memory_space<vmem>>) semaphore(%run_scoped3A_56 : memref<!tpu.dma_semaphore, #tpu.memory_space<semaphore_mem>>) {add = true}
        %dma_wait3A_63 = arith.constant 0 : i32
        %dma_wait3A_64 = tpu.memref_slice %arg9[%add3A_55, %dma_wait3A_63] : memref<157x128xi32, #tpu.memory_space<vmem>> -> memref<1x128xi32, #tpu.memory_space<vmem>>
        %dma_wait3A_65 = tpu.memref_squeeze %dma_wait3A_64 : memref<1x128xi32, #tpu.memory_space<vmem>> -> memref<128xi32, #tpu.memory_space<vmem>>
        %dma_wait3A_66 = arith.constant 0 : i32
        %dma_wait3A_67 = arith.constant 0 : i32
        %dma_wait3A_68 = tpu.memref_slice %arg7[%dma_wait3A_66, %dma_wait3A_67] : memref<10112x80xf32, #tpu.memory_space<vmem_shared>> -> memref<10112x80xf32, #tpu.memory_space<vmem_shared>>
        tpu.wait_indirect_dma semaphore(%run_scoped3A_56 : memref<!tpu.dma_semaphore, #tpu.memory_space<semaphore_mem>>) src(%arg11 : memref<128x80xf32, #tpu.memory_space<vmem>>) dst(%dma_wait3A_68 : memref<10112x80xf32, #tpu.memory_space<vmem_shared>>)
        tpu.yield
      }) : () -> ()
    }
    %scan3A_13 = arith.constant 78 : i32
    %dma_wait3A = arith.constant 156 : i32
    %dma_wait3A_14 = arith.constant 0 : i32
    %dma_wait3A_15 = tpu.memref_slice %arg8[%dma_wait3A, %dma_wait3A_14] : memref<157x128xi32, #tpu.memory_space<vmem>> -> memref<1x128xi32, #tpu.memory_space<vmem>>
    %dma_wait3A_16 = tpu.memref_squeeze %dma_wait3A_15 : memref<1x128xi32, #tpu.memory_space<vmem>> -> memref<128xi32, #tpu.memory_space<vmem>>
    %dma_wait3A_17 = arith.constant 0 : i32
    %dma_wait3A_18 = arith.constant 0 : i32
    %dma_wait3A_19 = tpu.memref_slice %arg2[%dma_wait3A_17, %dma_wait3A_18] : memref<10000x80xf32, #tpu.memory_space<hbm>> -> memref<10000x80xf32, #tpu.memory_space<hbm>>
    tpu.wait_indirect_dma semaphore(%arg12 : memref<!tpu.dma_semaphore, #tpu.memory_space<semaphore_mem>>) src(%dma_wait3A_19 : memref<10000x80xf32, #tpu.memory_space<hbm>>) dst(%arg10 : memref<128x80xf32, #tpu.memory_space<vmem>>)
    %run_scoped3A = arith.constant 156 : i32
    "tpu.region"() ({
      %run_scoped3A_21 = tpu.sem_alloc : memref<!tpu.dma_semaphore, #tpu.memory_space<semaphore_mem>>
      %dma_start3A_22 = arith.constant 0 : i32
      %dma_start3A_23 = tpu.memref_slice %arg9[%run_scoped3A, %dma_start3A_22] : memref<157x128xi32, #tpu.memory_space<vmem>> -> memref<1x128xi32, #tpu.memory_space<vmem>>
      %dma_start3A_24 = tpu.memref_squeeze %dma_start3A_23 : memref<1x128xi32, #tpu.memory_space<vmem>> -> memref<128xi32, #tpu.memory_space<vmem>>
      %dma_start3A_25 = arith.constant 0 : i32
      %dma_start3A_26 = arith.constant 0 : i32
      %dma_start3A_27 = tpu.memref_slice %arg7[%dma_start3A_25, %dma_start3A_26] : memref<10112x80xf32, #tpu.memory_space<vmem_shared>> -> memref<10112x80xf32, #tpu.memory_space<vmem_shared>>
      tpu.enqueue_indirect_dma source(%arg10 : memref<128x80xf32, #tpu.memory_space<vmem>>) target(%dma_start3A_27 : memref<10112x80xf32, #tpu.memory_space<vmem_shared>>) offsets(%dma_start3A_24 : memref<128xi32, #tpu.memory_space<vmem>>) semaphore(%run_scoped3A_21 : memref<!tpu.dma_semaphore, #tpu.memory_space<semaphore_mem>>) {add = true}
      %dma_wait3A_28 = arith.constant 0 : i32
      %dma_wait3A_29 = tpu.memref_slice %arg9[%run_scoped3A, %dma_wait3A_28] : memref<157x128xi32, #tpu.memory_space<vmem>> -> memref<1x128xi32, #tpu.memory_space<vmem>>
      %dma_wait3A_30 = tpu.memref_squeeze %dma_wait3A_29 : memref<1x128xi32, #tpu.memory_space<vmem>> -> memref<128xi32, #tpu.memory_space<vmem>>
      %dma_wait3A_31 = arith.constant 0 : i32
      %dma_wait3A_32 = arith.constant 0 : i32
      %dma_wait3A_33 = tpu.memref_slice %arg7[%dma_wait3A_31, %dma_wait3A_32] : memref<10112x80xf32, #tpu.memory_space<vmem_shared>> -> memref<10112x80xf32, #tpu.memory_space<vmem_shared>>
      tpu.wait_indirect_dma semaphore(%run_scoped3A_21 : memref<!tpu.dma_semaphore, #tpu.memory_space<semaphore_mem>>) src(%arg10 : memref<128x80xf32, #tpu.memory_space<vmem>>) dst(%dma_wait3A_33 : memref<10112x80xf32, #tpu.memory_space<vmem_shared>>)
      tpu.yield
    }) : () -> ()
    %barrier3A_20 = arith.constant 0 : index
    tpu.barrier barrier_id(%barrier3A_20)
    "tpu.region"() ({
      %run_scoped3A_21 = tpu.sem_alloc : memref<!tpu.dma_semaphore, #tpu.memory_space<semaphore_mem>>
      %dma_start3A_22 = arith.constant 0 : i32
      %dma_start3A_23 = tpu.memref_slice %arg6[%arg0, %mul3A_2, %dma_start3A_22] : memref<1x10112x80xf32, #tpu.memory_space<hbm>> -> memref<1x632x80xf32, #tpu.memory_space<hbm>>
      %dma_start3A_24 = tpu.memref_squeeze %dma_start3A_23 : memref<1x632x80xf32, #tpu.memory_space<hbm>> -> memref<632x80xf32, #tpu.memory_space<hbm>>
      %dma_start3A_25 = arith.constant 0 : i32
      %dma_start3A_26 = tpu.memref_slice %arg7[%mul3A_2, %dma_start3A_25] : memref<10112x80xf32, #tpu.memory_space<vmem_shared>> -> memref<632x80xf32, #tpu.memory_space<vmem_shared>>
      tpu.enqueue_dma source(%dma_start3A_26 : memref<632x80xf32, #tpu.memory_space<vmem_shared>>) target(%dma_start3A_24 : memref<632x80xf32, #tpu.memory_space<hbm>>) target_semaphore(%run_scoped3A_21 : memref<!tpu.dma_semaphore, #tpu.memory_space<semaphore_mem>>)
      %dma_wait3A_27 = arith.constant 0 : i32
      %dma_wait3A_28 = tpu.memref_slice %arg6[%arg0, %mul3A_2, %dma_wait3A_27] : memref<1x10112x80xf32, #tpu.memory_space<hbm>> -> memref<1x632x80xf32, #tpu.memory_space<hbm>>
      %dma_wait3A_29 = tpu.memref_squeeze %dma_wait3A_28 : memref<1x632x80xf32, #tpu.memory_space<hbm>> -> memref<632x80xf32, #tpu.memory_space<hbm>>
      %dma_wait3A_30 = arith.constant 0 : i32
      %dma_wait3A_31 = tpu.memref_slice %arg7[%mul3A_2, %dma_wait3A_30] : memref<10112x80xf32, #tpu.memory_space<vmem_shared>> -> memref<632x80xf32, #tpu.memory_space<vmem_shared>>
      tpu.wait_dma2 semaphore(%run_scoped3A_21 : memref<!tpu.dma_semaphore, #tpu.memory_space<semaphore_mem>>) src(%dma_wait3A_31 : memref<632x80xf32, #tpu.memory_space<vmem_shared>>) dst(%dma_wait3A_29 : memref<632x80xf32, #tpu.memory_space<hbm>>)
      tpu.yield
    }) : () -> ()
    return
  }
}

#map = affine_map<(d0, d1) -> (0, 0)>
#map1 = affine_map<(d0, d1) -> (0, 0, 0)>
module attributes {stable_mosaic.version = 14 : i64} {
  func.func @sc(%arg0: i32, %arg1: i32, %arg2: memref<10000x64xf32, #tpu.memory_space<hbm>>, %arg3: memref<16x157x128xi32, #tpu.memory_space<hbm>>, %arg4: memref<16x157x128xi32, #tpu.memory_space<hbm>>, %arg5: memref<10112x64xf32, #tpu.memory_space<hbm>>, %arg6: memref<1x10112x64xf32, #tpu.memory_space<hbm>>, %arg7: memref<10112x64xf32, #tpu.memory_space<vmem_shared>>, %arg8: memref<157x128xi32, #tpu.memory_space<vmem>>, %arg9: memref<157x128xi32, #tpu.memory_space<vmem>>, %arg10: memref<128x64xf32, #tpu.memory_space<vmem>>, %arg11: memref<128x64xf32, #tpu.memory_space<vmem>>, %arg12: memref<!tpu.dma_semaphore, #tpu.memory_space<semaphore_mem>>, %arg13: memref<!tpu.dma_semaphore, #tpu.memory_space<semaphore_mem>>) attributes {dimension_semantics = [#tpu.dimension_semantics<core_parallel>, #tpu.dimension_semantics<subcore_parallel>], iteration_bounds = array<i64: 1, 16>, scalar_prefetch = 0 : i64, scratch_operands = 7 : i64, tpu.core_type = #tpu.core_type<sc_vector_subcore>, window_params = [{transform_indices = #map}, {transform_indices = #map1}, {transform_indices = #map1}, {transform_indices = #map}, {transform_indices = #map1}]} {
    %mul3A = arith.constant 16 : i32
    %mul3A_0 = arith.muli %arg0, %mul3A : i32
    %add3A = arith.addi %mul3A_0, %arg1 : i32
    %mul3A_1 = arith.constant 632 : i32
    %mul3A_2 = arith.muli %arg1, %mul3A_1 : i32
    "tpu.region"() ({
      %run_scoped3A_21 = tpu.sem_alloc : memref<!tpu.dma_semaphore, #tpu.memory_space<semaphore_mem>>
      %dma_start3A_22 = arith.constant 0 : i32
      %dma_start3A_23 = tpu.memref_slice %arg7[%mul3A_2, %dma_start3A_22] : memref<10112x64xf32, #tpu.memory_space<vmem_shared>> -> memref<632x64xf32, #tpu.memory_space<vmem_shared>>
      %dma_start3A_24 = arith.constant 0 : i32
      %dma_start3A_25 = tpu.memref_slice %arg5[%mul3A_2, %dma_start3A_24] : memref<10112x64xf32, #tpu.memory_space<hbm>> -> memref<632x64xf32, #tpu.memory_space<hbm>>
      tpu.enqueue_dma source(%dma_start3A_25 : memref<632x64xf32, #tpu.memory_space<hbm>>) target(%dma_start3A_23 : memref<632x64xf32, #tpu.memory_space<vmem_shared>>) target_semaphore(%run_scoped3A_21 : memref<!tpu.dma_semaphore, #tpu.memory_space<semaphore_mem>>)
      %dma_wait3A_26 = arith.constant 0 : i32
      %dma_wait3A_27 = tpu.memref_slice %arg7[%mul3A_2, %dma_wait3A_26] : memref<10112x64xf32, #tpu.memory_space<vmem_shared>> -> memref<632x64xf32, #tpu.memory_space<vmem_shared>>
      %dma_wait3A_28 = arith.constant 0 : i32
      %dma_wait3A_29 = tpu.memref_slice %arg5[%mul3A_2, %dma_wait3A_28] : memref<10112x64xf32, #tpu.memory_space<hbm>> -> memref<632x64xf32, #tpu.memory_space<hbm>>
      tpu.wait_dma2 semaphore(%run_scoped3A_21 : memref<!tpu.dma_semaphore, #tpu.memory_space<semaphore_mem>>) src(%dma_wait3A_29 : memref<632x64xf32, #tpu.memory_space<hbm>>) dst(%dma_wait3A_27 : memref<632x64xf32, #tpu.memory_space<vmem_shared>>)
      tpu.yield
    }) : () -> ()
    "tpu.region"() ({
      %run_scoped3A_21 = tpu.sem_alloc : memref<!tpu.dma_semaphore, #tpu.memory_space<semaphore_mem>>
      %dma_start3A_22 = arith.constant 0 : i32
      %dma_start3A_23 = arith.constant 0 : i32
      %dma_start3A_24 = tpu.memref_slice %arg3[%add3A, %dma_start3A_22, %dma_start3A_23] : memref<16x157x128xi32, #tpu.memory_space<hbm>> -> memref<1x157x128xi32, #tpu.memory_space<hbm>>
      %dma_start3A_25 = tpu.memref_squeeze %dma_start3A_24 : memref<1x157x128xi32, #tpu.memory_space<hbm>> -> memref<157x128xi32, #tpu.memory_space<hbm>>
      %dma_start3A_26 = arith.constant 0 : i32
      %dma_start3A_27 = arith.constant 0 : i32
      %dma_start3A_28 = tpu.memref_slice %arg3[%add3A, %dma_start3A_26, %dma_start3A_27] : memref<16x157x128xi32, #tpu.memory_space<hbm>> -> memref<1x157x128xi32, #tpu.memory_space<hbm>>
      %dma_start3A_29 = tpu.memref_squeeze %dma_start3A_28 : memref<1x157x128xi32, #tpu.memory_space<hbm>> -> memref<157x128xi32, #tpu.memory_space<hbm>>
      tpu.enqueue_dma source(%dma_start3A_29 : memref<157x128xi32, #tpu.memory_space<hbm>>) target(%arg8 : memref<157x128xi32, #tpu.memory_space<vmem>>) target_semaphore(%run_scoped3A_21 : memref<!tpu.dma_semaphore, #tpu.memory_space<semaphore_mem>>)
      %dma_wait3A_30 = arith.constant 0 : i32
      %dma_wait3A_31 = arith.constant 0 : i32
      %dma_wait3A_32 = tpu.memref_slice %arg3[%add3A, %dma_wait3A_30, %dma_wait3A_31] : memref<16x157x128xi32, #tpu.memory_space<hbm>> -> memref<1x157x128xi32, #tpu.memory_space<hbm>>
      %dma_wait3A_33 = tpu.memref_squeeze %dma_wait3A_32 : memref<1x157x128xi32, #tpu.memory_space<hbm>> -> memref<157x128xi32, #tpu.memory_space<hbm>>
      %dma_wait3A_34 = arith.constant 0 : i32
      %dma_wait3A_35 = arith.constant 0 : i32
      %dma_wait3A_36 = tpu.memref_slice %arg3[%add3A, %dma_wait3A_34, %dma_wait3A_35] : memref<16x157x128xi32, #tpu.memory_space<hbm>> -> memref<1x157x128xi32, #tpu.memory_space<hbm>>
      %dma_wait3A_37 = tpu.memref_squeeze %dma_wait3A_36 : memref<1x157x128xi32, #tpu.memory_space<hbm>> -> memref<157x128xi32, #tpu.memory_space<hbm>>
      tpu.wait_dma2 semaphore(%run_scoped3A_21 : memref<!tpu.dma_semaphore, #tpu.memory_space<semaphore_mem>>) src(%dma_wait3A_37 : memref<157x128xi32, #tpu.memory_space<hbm>>) dst(%arg8 : memref<157x128xi32, #tpu.memory_space<vmem>>)
      tpu.yield
    }) : () -> ()
    "tpu.region"() ({
      %run_scoped3A_21 = tpu.sem_alloc : memref<!tpu.dma_semaphore, #tpu.memory_space<semaphore_mem>>
      %dma_start3A_22 = arith.constant 0 : i32
      %dma_start3A_23 = arith.constant 0 : i32
      %dma_start3A_24 = tpu.memref_slice %arg4[%add3A, %dma_start3A_22, %dma_start3A_23] : memref<16x157x128xi32, #tpu.memory_space<hbm>> -> memref<1x157x128xi32, #tpu.memory_space<hbm>>
      %dma_start3A_25 = tpu.memref_squeeze %dma_start3A_24 : memref<1x157x128xi32, #tpu.memory_space<hbm>> -> memref<157x128xi32, #tpu.memory_space<hbm>>
      %dma_start3A_26 = arith.constant 0 : i32
      %dma_start3A_27 = arith.constant 0 : i32
      %dma_start3A_28 = tpu.memref_slice %arg4[%add3A, %dma_start3A_26, %dma_start3A_27] : memref<16x157x128xi32, #tpu.memory_space<hbm>> -> memref<1x157x128xi32, #tpu.memory_space<hbm>>
      %dma_start3A_29 = tpu.memref_squeeze %dma_start3A_28 : memref<1x157x128xi32, #tpu.memory_space<hbm>> -> memref<157x128xi32, #tpu.memory_space<hbm>>
      tpu.enqueue_dma source(%dma_start3A_29 : memref<157x128xi32, #tpu.memory_space<hbm>>) target(%arg9 : memref<157x128xi32, #tpu.memory_space<vmem>>) target_semaphore(%run_scoped3A_21 : memref<!tpu.dma_semaphore, #tpu.memory_space<semaphore_mem>>)
      %dma_wait3A_30 = arith.constant 0 : i32
      %dma_wait3A_31 = arith.constant 0 : i32
      %dma_wait3A_32 = tpu.memref_slice %arg4[%add3A, %dma_wait3A_30, %dma_wait3A_31] : memref<16x157x128xi32, #tpu.memory_space<hbm>> -> memref<1x157x128xi32, #tpu.memory_space<hbm>>
      %dma_wait3A_33 = tpu.memref_squeeze %dma_wait3A_32 : memref<1x157x128xi32, #tpu.memory_space<hbm>> -> memref<157x128xi32, #tpu.memory_space<hbm>>
      %dma_wait3A_34 = arith.constant 0 : i32
      %dma_wait3A_35 = arith.constant 0 : i32
      %dma_wait3A_36 = tpu.memref_slice %arg4[%add3A, %dma_wait3A_34, %dma_wait3A_35] : memref<16x157x128xi32, #tpu.memory_space<hbm>> -> memref<1x157x128xi32, #tpu.memory_space<hbm>>
      %dma_wait3A_37 = tpu.memref_squeeze %dma_wait3A_36 : memref<1x157x128xi32, #tpu.memory_space<hbm>> -> memref<157x128xi32, #tpu.memory_space<hbm>>
      tpu.wait_dma2 semaphore(%run_scoped3A_21 : memref<!tpu.dma_semaphore, #tpu.memory_space<semaphore_mem>>) src(%dma_wait3A_37 : memref<157x128xi32, #tpu.memory_space<hbm>>) dst(%arg9 : memref<157x128xi32, #tpu.memory_space<vmem>>)
      tpu.yield
    }) : () -> ()
    %barrier3A = arith.constant 0 : index
    tpu.barrier barrier_id(%barrier3A)
    %dma_start3A = arith.constant 0 : i32
    %dma_start3A_3 = arith.constant 0 : i32
    %dma_start3A_4 = tpu.memref_slice %arg8[%dma_start3A, %dma_start3A_3] : memref<157x128xi32, #tpu.memory_space<vmem>> -> memref<1x128xi32, #tpu.memory_space<vmem>>
    %dma_start3A_5 = tpu.memref_squeeze %dma_start3A_4 : memref<1x128xi32, #tpu.memory_space<vmem>> -> memref<128xi32, #tpu.memory_space<vmem>>
    %dma_start3A_6 = arith.constant 0 : i32
    %dma_start3A_7 = arith.constant 0 : i32
    %dma_start3A_8 = tpu.memref_slice %arg2[%dma_start3A_6, %dma_start3A_7] : memref<10000x64xf32, #tpu.memory_space<hbm>> -> memref<10000x64xf32, #tpu.memory_space<hbm>>
    tpu.enqueue_indirect_dma source(%dma_start3A_8 : memref<10000x64xf32, #tpu.memory_space<hbm>>) target(%arg10 : memref<128x64xf32, #tpu.memory_space<vmem>>) offsets(%dma_start3A_5 : memref<128xi32, #tpu.memory_space<vmem>>) semaphore(%arg12 : memref<!tpu.dma_semaphore, #tpu.memory_space<semaphore_mem>>)
    %scan3A = arith.constant 0 : i32
    %scan3A_9 = arith.constant 0 : i32
    %scan3A_10 = arith.constant 78 : i32
    %scan3A_11 = arith.addi %scan3A_9, %scan3A_10 : i32
    %scan3A_12 = arith.constant 1 : i32
    scf.for %scan3A_21 = %scan3A_9 to %scan3A_11 step %scan3A_12  : i32 {
      %mul3A_22 = arith.constant 2 : i32
      %mul3A_23 = arith.muli %mul3A_22, %scan3A_21 : i32
      %dma_wait3A_24 = arith.constant 0 : i32
      %dma_wait3A_25 = tpu.memref_slice %arg8[%mul3A_23, %dma_wait3A_24] : memref<157x128xi32, #tpu.memory_space<vmem>> -> memref<1x128xi32, #tpu.memory_space<vmem>>
      %dma_wait3A_26 = tpu.memref_squeeze %dma_wait3A_25 : memref<1x128xi32, #tpu.memory_space<vmem>> -> memref<128xi32, #tpu.memory_space<vmem>>
      %dma_wait3A_27 = arith.constant 0 : i32
      %dma_wait3A_28 = arith.constant 0 : i32
      %dma_wait3A_29 = tpu.memref_slice %arg2[%dma_wait3A_27, %dma_wait3A_28] : memref<10000x64xf32, #tpu.memory_space<hbm>> -> memref<10000x64xf32, #tpu.memory_space<hbm>>
      tpu.wait_indirect_dma semaphore(%arg12 : memref<!tpu.dma_semaphore, #tpu.memory_space<semaphore_mem>>) src(%dma_wait3A_29 : memref<10000x64xf32, #tpu.memory_space<hbm>>) dst(%arg10 : memref<128x64xf32, #tpu.memory_space<vmem>>)
      %add3A_30 = arith.constant 1 : i32
      %add3A_31 = arith.addi %mul3A_23, %add3A_30 : i32
      %dma_start3A_32 = arith.constant 0 : i32
      %dma_start3A_33 = tpu.memref_slice %arg8[%add3A_31, %dma_start3A_32] : memref<157x128xi32, #tpu.memory_space<vmem>> -> memref<1x128xi32, #tpu.memory_space<vmem>>
      %dma_start3A_34 = tpu.memref_squeeze %dma_start3A_33 : memref<1x128xi32, #tpu.memory_space<vmem>> -> memref<128xi32, #tpu.memory_space<vmem>>
      %dma_start3A_35 = arith.constant 0 : i32
      %dma_start3A_36 = arith.constant 0 : i32
      %dma_start3A_37 = tpu.memref_slice %arg2[%dma_start3A_35, %dma_start3A_36] : memref<10000x64xf32, #tpu.memory_space<hbm>> -> memref<10000x64xf32, #tpu.memory_space<hbm>>
      tpu.enqueue_indirect_dma source(%dma_start3A_37 : memref<10000x64xf32, #tpu.memory_space<hbm>>) target(%arg11 : memref<128x64xf32, #tpu.memory_space<vmem>>) offsets(%dma_start3A_34 : memref<128xi32, #tpu.memory_space<vmem>>) semaphore(%arg13 : memref<!tpu.dma_semaphore, #tpu.memory_space<semaphore_mem>>)
      "tpu.region"() ({
        %run_scoped3A_56 = tpu.sem_alloc : memref<!tpu.dma_semaphore, #tpu.memory_space<semaphore_mem>>
        %dma_start3A_57 = arith.constant 0 : i32
        %dma_start3A_58 = tpu.memref_slice %arg9[%mul3A_23, %dma_start3A_57] : memref<157x128xi32, #tpu.memory_space<vmem>> -> memref<1x128xi32, #tpu.memory_space<vmem>>
        %dma_start3A_59 = tpu.memref_squeeze %dma_start3A_58 : memref<1x128xi32, #tpu.memory_space<vmem>> -> memref<128xi32, #tpu.memory_space<vmem>>
        %dma_start3A_60 = arith.constant 0 : i32
        %dma_start3A_61 = arith.constant 0 : i32
        %dma_start3A_62 = tpu.memref_slice %arg7[%dma_start3A_60, %dma_start3A_61] : memref<10112x64xf32, #tpu.memory_space<vmem_shared>> -> memref<10112x64xf32, #tpu.memory_space<vmem_shared>>
        tpu.enqueue_indirect_dma source(%arg10 : memref<128x64xf32, #tpu.memory_space<vmem>>) target(%dma_start3A_62 : memref<10112x64xf32, #tpu.memory_space<vmem_shared>>) offsets(%dma_start3A_59 : memref<128xi32, #tpu.memory_space<vmem>>) semaphore(%run_scoped3A_56 : memref<!tpu.dma_semaphore, #tpu.memory_space<semaphore_mem>>) {add = true}
        %dma_wait3A_63 = arith.constant 0 : i32
        %dma_wait3A_64 = tpu.memref_slice %arg9[%mul3A_23, %dma_wait3A_63] : memref<157x128xi32, #tpu.memory_space<vmem>> -> memref<1x128xi32, #tpu.memory_space<vmem>>
        %dma_wait3A_65 = tpu.memref_squeeze %dma_wait3A_64 : memref<1x128xi32, #tpu.memory_space<vmem>> -> memref<128xi32, #tpu.memory_space<vmem>>
        %dma_wait3A_66 = arith.constant 0 : i32
        %dma_wait3A_67 = arith.constant 0 : i32
        %dma_wait3A_68 = tpu.memref_slice %arg7[%dma_wait3A_66, %dma_wait3A_67] : memref<10112x64xf32, #tpu.memory_space<vmem_shared>> -> memref<10112x64xf32, #tpu.memory_space<vmem_shared>>
        tpu.wait_indirect_dma semaphore(%run_scoped3A_56 : memref<!tpu.dma_semaphore, #tpu.memory_space<semaphore_mem>>) src(%arg10 : memref<128x64xf32, #tpu.memory_space<vmem>>) dst(%dma_wait3A_68 : memref<10112x64xf32, #tpu.memory_space<vmem_shared>>)
        tpu.yield
      }) : () -> ()
      %add3A_38 = arith.constant 1 : i32
      %add3A_39 = arith.addi %mul3A_23, %add3A_38 : i32
      %dma_wait3A_40 = arith.constant 0 : i32
      %dma_wait3A_41 = tpu.memref_slice %arg8[%add3A_39, %dma_wait3A_40] : memref<157x128xi32, #tpu.memory_space<vmem>> -> memref<1x128xi32, #tpu.memory_space<vmem>>
      %dma_wait3A_42 = tpu.memref_squeeze %dma_wait3A_41 : memref<1x128xi32, #tpu.memory_space<vmem>> -> memref<128xi32, #tpu.memory_space<vmem>>
      %dma_wait3A_43 = arith.constant 0 : i32
      %dma_wait3A_44 = arith.constant 0 : i32
      %dma_wait3A_45 = tpu.memref_slice %arg2[%dma_wait3A_43, %dma_wait3A_44] : memref<10000x64xf32, #tpu.memory_space<hbm>> -> memref<10000x64xf32, #tpu.memory_space<hbm>>
      tpu.wait_indirect_dma semaphore(%arg13 : memref<!tpu.dma_semaphore, #tpu.memory_space<semaphore_mem>>) src(%dma_wait3A_45 : memref<10000x64xf32, #tpu.memory_space<hbm>>) dst(%arg11 : memref<128x64xf32, #tpu.memory_space<vmem>>)
      %add3A_46 = arith.constant 2 : i32
      %add3A_47 = arith.addi %mul3A_23, %add3A_46 : i32
      %dma_start3A_48 = arith.constant 0 : i32
      %dma_start3A_49 = tpu.memref_slice %arg8[%add3A_47, %dma_start3A_48] : memref<157x128xi32, #tpu.memory_space<vmem>> -> memref<1x128xi32, #tpu.memory_space<vmem>>
      %dma_start3A_50 = tpu.memref_squeeze %dma_start3A_49 : memref<1x128xi32, #tpu.memory_space<vmem>> -> memref<128xi32, #tpu.memory_space<vmem>>
      %dma_start3A_51 = arith.constant 0 : i32
      %dma_start3A_52 = arith.constant 0 : i32
      %dma_start3A_53 = tpu.memref_slice %arg2[%dma_start3A_51, %dma_start3A_52] : memref<10000x64xf32, #tpu.memory_space<hbm>> -> memref<10000x64xf32, #tpu.memory_space<hbm>>
      tpu.enqueue_indirect_dma source(%dma_start3A_53 : memref<10000x64xf32, #tpu.memory_space<hbm>>) target(%arg10 : memref<128x64xf32, #tpu.memory_space<vmem>>) offsets(%dma_start3A_50 : memref<128xi32, #tpu.memory_space<vmem>>) semaphore(%arg12 : memref<!tpu.dma_semaphore, #tpu.memory_space<semaphore_mem>>)
      %add3A_54 = arith.constant 1 : i32
      %add3A_55 = arith.addi %mul3A_23, %add3A_54 : i32
      "tpu.region"() ({
        %run_scoped3A_56 = tpu.sem_alloc : memref<!tpu.dma_semaphore, #tpu.memory_space<semaphore_mem>>
        %dma_start3A_57 = arith.constant 0 : i32
        %dma_start3A_58 = tpu.memref_slice %arg9[%add3A_55, %dma_start3A_57] : memref<157x128xi32, #tpu.memory_space<vmem>> -> memref<1x128xi32, #tpu.memory_space<vmem>>
        %dma_start3A_59 = tpu.memref_squeeze %dma_start3A_58 : memref<1x128xi32, #tpu.memory_space<vmem>> -> memref<128xi32, #tpu.memory_space<vmem>>
        %dma_start3A_60 = arith.constant 0 : i32
        %dma_start3A_61 = arith.constant 0 : i32
        %dma_start3A_62 = tpu.memref_slice %arg7[%dma_start3A_60, %dma_start3A_61] : memref<10112x64xf32, #tpu.memory_space<vmem_shared>> -> memref<10112x64xf32, #tpu.memory_space<vmem_shared>>
        tpu.enqueue_indirect_dma source(%arg11 : memref<128x64xf32, #tpu.memory_space<vmem>>) target(%dma_start3A_62 : memref<10112x64xf32, #tpu.memory_space<vmem_shared>>) offsets(%dma_start3A_59 : memref<128xi32, #tpu.memory_space<vmem>>) semaphore(%run_scoped3A_56 : memref<!tpu.dma_semaphore, #tpu.memory_space<semaphore_mem>>) {add = true}
        %dma_wait3A_63 = arith.constant 0 : i32
        %dma_wait3A_64 = tpu.memref_slice %arg9[%add3A_55, %dma_wait3A_63] : memref<157x128xi32, #tpu.memory_space<vmem>> -> memref<1x128xi32, #tpu.memory_space<vmem>>
        %dma_wait3A_65 = tpu.memref_squeeze %dma_wait3A_64 : memref<1x128xi32, #tpu.memory_space<vmem>> -> memref<128xi32, #tpu.memory_space<vmem>>
        %dma_wait3A_66 = arith.constant 0 : i32
        %dma_wait3A_67 = arith.constant 0 : i32
        %dma_wait3A_68 = tpu.memref_slice %arg7[%dma_wait3A_66, %dma_wait3A_67] : memref<10112x64xf32, #tpu.memory_space<vmem_shared>> -> memref<10112x64xf32, #tpu.memory_space<vmem_shared>>
        tpu.wait_indirect_dma semaphore(%run_scoped3A_56 : memref<!tpu.dma_semaphore, #tpu.memory_space<semaphore_mem>>) src(%arg11 : memref<128x64xf32, #tpu.memory_space<vmem>>) dst(%dma_wait3A_68 : memref<10112x64xf32, #tpu.memory_space<vmem_shared>>)
        tpu.yield
      }) : () -> ()
    }
    %scan3A_13 = arith.constant 78 : i32
    %dma_wait3A = arith.constant 156 : i32
    %dma_wait3A_14 = arith.constant 0 : i32
    %dma_wait3A_15 = tpu.memref_slice %arg8[%dma_wait3A, %dma_wait3A_14] : memref<157x128xi32, #tpu.memory_space<vmem>> -> memref<1x128xi32, #tpu.memory_space<vmem>>
    %dma_wait3A_16 = tpu.memref_squeeze %dma_wait3A_15 : memref<1x128xi32, #tpu.memory_space<vmem>> -> memref<128xi32, #tpu.memory_space<vmem>>
    %dma_wait3A_17 = arith.constant 0 : i32
    %dma_wait3A_18 = arith.constant 0 : i32
    %dma_wait3A_19 = tpu.memref_slice %arg2[%dma_wait3A_17, %dma_wait3A_18] : memref<10000x64xf32, #tpu.memory_space<hbm>> -> memref<10000x64xf32, #tpu.memory_space<hbm>>
    tpu.wait_indirect_dma semaphore(%arg12 : memref<!tpu.dma_semaphore, #tpu.memory_space<semaphore_mem>>) src(%dma_wait3A_19 : memref<10000x64xf32, #tpu.memory_space<hbm>>) dst(%arg10 : memref<128x64xf32, #tpu.memory_space<vmem>>)
    %run_scoped3A = arith.constant 156 : i32
    "tpu.region"() ({
      %run_scoped3A_21 = tpu.sem_alloc : memref<!tpu.dma_semaphore, #tpu.memory_space<semaphore_mem>>
      %dma_start3A_22 = arith.constant 0 : i32
      %dma_start3A_23 = tpu.memref_slice %arg9[%run_scoped3A, %dma_start3A_22] : memref<157x128xi32, #tpu.memory_space<vmem>> -> memref<1x128xi32, #tpu.memory_space<vmem>>
      %dma_start3A_24 = tpu.memref_squeeze %dma_start3A_23 : memref<1x128xi32, #tpu.memory_space<vmem>> -> memref<128xi32, #tpu.memory_space<vmem>>
      %dma_start3A_25 = arith.constant 0 : i32
      %dma_start3A_26 = arith.constant 0 : i32
      %dma_start3A_27 = tpu.memref_slice %arg7[%dma_start3A_25, %dma_start3A_26] : memref<10112x64xf32, #tpu.memory_space<vmem_shared>> -> memref<10112x64xf32, #tpu.memory_space<vmem_shared>>
      tpu.enqueue_indirect_dma source(%arg10 : memref<128x64xf32, #tpu.memory_space<vmem>>) target(%dma_start3A_27 : memref<10112x64xf32, #tpu.memory_space<vmem_shared>>) offsets(%dma_start3A_24 : memref<128xi32, #tpu.memory_space<vmem>>) semaphore(%run_scoped3A_21 : memref<!tpu.dma_semaphore, #tpu.memory_space<semaphore_mem>>) {add = true}
      %dma_wait3A_28 = arith.constant 0 : i32
      %dma_wait3A_29 = tpu.memref_slice %arg9[%run_scoped3A, %dma_wait3A_28] : memref<157x128xi32, #tpu.memory_space<vmem>> -> memref<1x128xi32, #tpu.memory_space<vmem>>
      %dma_wait3A_30 = tpu.memref_squeeze %dma_wait3A_29 : memref<1x128xi32, #tpu.memory_space<vmem>> -> memref<128xi32, #tpu.memory_space<vmem>>
      %dma_wait3A_31 = arith.constant 0 : i32
      %dma_wait3A_32 = arith.constant 0 : i32
      %dma_wait3A_33 = tpu.memref_slice %arg7[%dma_wait3A_31, %dma_wait3A_32] : memref<10112x64xf32, #tpu.memory_space<vmem_shared>> -> memref<10112x64xf32, #tpu.memory_space<vmem_shared>>
      tpu.wait_indirect_dma semaphore(%run_scoped3A_21 : memref<!tpu.dma_semaphore, #tpu.memory_space<semaphore_mem>>) src(%arg10 : memref<128x64xf32, #tpu.memory_space<vmem>>) dst(%dma_wait3A_33 : memref<10112x64xf32, #tpu.memory_space<vmem_shared>>)
      tpu.yield
    }) : () -> ()
    %barrier3A_20 = arith.constant 0 : index
    tpu.barrier barrier_id(%barrier3A_20)
    "tpu.region"() ({
      %run_scoped3A_21 = tpu.sem_alloc : memref<!tpu.dma_semaphore, #tpu.memory_space<semaphore_mem>>
      %dma_start3A_22 = arith.constant 0 : i32
      %dma_start3A_23 = tpu.memref_slice %arg6[%arg0, %mul3A_2, %dma_start3A_22] : memref<1x10112x64xf32, #tpu.memory_space<hbm>> -> memref<1x632x64xf32, #tpu.memory_space<hbm>>
      %dma_start3A_24 = tpu.memref_squeeze %dma_start3A_23 : memref<1x632x64xf32, #tpu.memory_space<hbm>> -> memref<632x64xf32, #tpu.memory_space<hbm>>
      %dma_start3A_25 = arith.constant 0 : i32
      %dma_start3A_26 = tpu.memref_slice %arg7[%mul3A_2, %dma_start3A_25] : memref<10112x64xf32, #tpu.memory_space<vmem_shared>> -> memref<632x64xf32, #tpu.memory_space<vmem_shared>>
      tpu.enqueue_dma source(%dma_start3A_26 : memref<632x64xf32, #tpu.memory_space<vmem_shared>>) target(%dma_start3A_24 : memref<632x64xf32, #tpu.memory_space<hbm>>) target_semaphore(%run_scoped3A_21 : memref<!tpu.dma_semaphore, #tpu.memory_space<semaphore_mem>>)
      %dma_wait3A_27 = arith.constant 0 : i32
      %dma_wait3A_28 = tpu.memref_slice %arg6[%arg0, %mul3A_2, %dma_wait3A_27] : memref<1x10112x64xf32, #tpu.memory_space<hbm>> -> memref<1x632x64xf32, #tpu.memory_space<hbm>>
      %dma_wait3A_29 = tpu.memref_squeeze %dma_wait3A_28 : memref<1x632x64xf32, #tpu.memory_space<hbm>> -> memref<632x64xf32, #tpu.memory_space<hbm>>
      %dma_wait3A_30 = arith.constant 0 : i32
      %dma_wait3A_31 = tpu.memref_slice %arg7[%mul3A_2, %dma_wait3A_30] : memref<10112x64xf32, #tpu.memory_space<vmem_shared>> -> memref<632x64xf32, #tpu.memory_space<vmem_shared>>
      tpu.wait_dma2 semaphore(%run_scoped3A_21 : memref<!tpu.dma_semaphore, #tpu.memory_space<semaphore_mem>>) src(%dma_wait3A_31 : memref<632x64xf32, #tpu.memory_space<vmem_shared>>) dst(%dma_wait3A_29 : memref<632x64xf32, #tpu.memory_space<hbm>>)
      tpu.yield
    }) : () -> ()
    return
  }
}

module attributes {stable_mosaic.version = 14 : i64} {
  func.func @_tc_a(%arg0: i32, %arg1: memref<2000x128xf32, #tpu.memory_space<vmem>>, %arg2: memref<128x80xf32, #tpu.memory_space<vmem>>, %arg3: memref<128x64xf32, #tpu.memory_space<vmem>>, %arg4: memref<2000x80xf32, #tpu.memory_space<vmem>>, %arg5: memref<2000x64xf32, #tpu.memory_space<vmem>>) attributes {dimension_semantics = [#tpu.dimension_semantics<arbitrary>], iteration_bounds = array<i64: 5>, scalar_prefetch = 0 : i64, scratch_operands = 0 : i64, tpu.core_type = #tpu.core_type<tc>, window_params = [{transform_indices = @transform_0, window_bounds = array<i64: 2000, 128>}, {pipeline_mode = #tpu.pipeline_mode<synchronous>, transform_indices = @transform_1, window_bounds = array<i64: 128, 80>}, {pipeline_mode = #tpu.pipeline_mode<synchronous>, transform_indices = @transform_2, window_bounds = array<i64: 128, 64>}, {transform_indices = @transform_3, window_bounds = array<i64: 2000, 80>}, {transform_indices = @transform_4, window_bounds = array<i64: 2000, 64>}]} {
    %get3A = arith.constant 0 : index
    %get3A_0 = arith.constant 0 : index
    %get3A_1 = vector.load %arg1[%get3A, %get3A_0] : memref<2000x128xf32, #tpu.memory_space<vmem>>, vector<2000x128xf32>
    %get3A_2 = arith.constant 0 : index
    %get3A_3 = arith.constant 0 : index
    %get3A_4 = vector.load %arg2[%get3A_2, %get3A_3] : memref<128x80xf32, #tpu.memory_space<vmem>>, vector<128x80xf32>
    %dot_general3A = arith.constant dense<0.000000e+00> : vector<2000x80xf32>
    %dot_general3A_5 = tpu.matmul %get3A_1, %get3A_4, %dot_general3A {dimension_numbers = #tpu.dot_dimension_numbers<[1], [0], [0], [1], [0, 0, 1, 1], [], []>, transpose_lhs_hint = false} : vector<2000x128xf32>, vector<128x80xf32>, vector<2000x80xf32> -> vector<2000x80xf32>
    %iota3A = tpu.iota {dimensions = array<i32: 1>} : vector<2000x80xi32>
    %eq3A = arith.constant 64 : i32
    %eq3A_6 = vector.broadcast %eq3A : i32 to vector<2000x80xi32>
    %eq3A_7 = arith.cmpi eq, %iota3A, %eq3A_6 : vector<2000x80xi32>
    %convert_element_type3A = arith.extui %eq3A_7 : vector<2000x80xi1> to vector<2000x80xi32>
    %convert_element_type3A_8 = arith.sitofp %convert_element_type3A : vector<2000x80xi32> to vector<2000x80xf32>
    %add3A = arith.addf %dot_general3A_5, %convert_element_type3A_8 : vector<2000x80xf32>
    %swap3A = arith.constant 0 : index
    %swap3A_9 = arith.constant 0 : index
    %swap3A_10 = vector.load %arg4[%swap3A, %swap3A_9] : memref<2000x80xf32, #tpu.memory_space<vmem>>, vector<2000x80xf32>
    tpu.vector_store %arg4[%swap3A, %swap3A_9], %add3A {strides = array<i32>} : memref<2000x80xf32, #tpu.memory_space<vmem>>, vector<2000x80xf32>,
    %get3A_11 = arith.constant 0 : index
    %get3A_12 = arith.constant 0 : index
    %get3A_13 = vector.load %arg3[%get3A_11, %get3A_12] : memref<128x64xf32, #tpu.memory_space<vmem>>, vector<128x64xf32>
    %dot_general3A_14 = arith.constant dense<0.000000e+00> : vector<2000x64xf32>
    %dot_general3A_15 = tpu.matmul %get3A_1, %get3A_13, %dot_general3A_14 {dimension_numbers = #tpu.dot_dimension_numbers<[1], [0], [0], [1], [0, 0, 1, 1], [], []>, transpose_lhs_hint = false} : vector<2000x128xf32>, vector<128x64xf32>, vector<2000x64xf32> -> vector<2000x64xf32>
    %swap3A_16 = arith.constant 0 : index
    %swap3A_17 = arith.constant 0 : index
    %swap3A_18 = vector.load %arg5[%swap3A_16, %swap3A_17] : memref<2000x64xf32, #tpu.memory_space<vmem>>, vector<2000x64xf32>
    tpu.vector_store %arg5[%swap3A_16, %swap3A_17], %dot_general3A_15 {strides = array<i32>} : memref<2000x64xf32, #tpu.memory_space<vmem>>, vector<2000x64xf32>,
    return
  }
  func.func @transform_0(%arg0: i32) -> (i32, i32) {
    %c0_i32 = arith.constant 0 : i32
    %c0_i32_0 = arith.constant 0 : i32
    return %arg0, %c0_i32 : i32, i32
  }
  func.func @transform_1(%arg0: i32) -> (i32, i32) {
    %c0_i32 = arith.constant 0 : i32
    %c0_i32_0 = arith.constant 0 : i32
    %c0_i32_1 = arith.constant 0 : i32
    return %c0_i32, %c0_i32_0 : i32, i32
  }
  func.func @transform_2(%arg0: i32) -> (i32, i32) {
    %c0_i32 = arith.constant 0 : i32
    %c0_i32_0 = arith.constant 0 : i32
    %c0_i32_1 = arith.constant 0 : i32
    return %c0_i32, %c0_i32_0 : i32, i32
  }
  func.func @transform_3(%arg0: i32) -> (i32, i32) {
    %c0_i32 = arith.constant 0 : i32
    %c0_i32_0 = arith.constant 0 : i32
    return %arg0, %c0_i32 : i32, i32
  }
  func.func @transform_4(%arg0: i32) -> (i32, i32) {
    %c0_i32 = arith.constant 0 : i32
    %c0_i32_0 = arith.constant 0 : i32
    return %arg0, %c0_i32 : i32, i32
  }
}

module attributes {stable_mosaic.version = 14 : i64} {
  func.func @_tc_b(%arg0: i32, %arg1: memref<1x2000x80xf32, #tpu.memory_space<vmem>>, %arg2: memref<2000x64xf32, #tpu.memory_space<vmem>>, %arg3: memref<1x64xf32, #tpu.memory_space<vmem>>, %arg4: memref<64x64xf32, #tpu.memory_space<vmem>>, %arg5: memref<64x64xf32, #tpu.memory_space<vmem>>, %arg6: memref<2000x64xf32, #tpu.memory_space<vmem>>, %arg7: memref<2000x64xf32, #tpu.memory_space<vmem>>) attributes {dimension_semantics = [#tpu.dimension_semantics<arbitrary>], iteration_bounds = array<i64: 5>, scalar_prefetch = 0 : i64, scratch_operands = 0 : i64, tpu.core_type = #tpu.core_type<tc>, window_params = [{transform_indices = @transform_0, window_bounds = array<i64: 1, 2000, 80>}, {transform_indices = @transform_1, window_bounds = array<i64: 2000, 64>}, {pipeline_mode = #tpu.pipeline_mode<synchronous>, transform_indices = @transform_2, window_bounds = array<i64: 1, 64>}, {pipeline_mode = #tpu.pipeline_mode<synchronous>, transform_indices = @transform_3, window_bounds = array<i64: 64, 64>}, {pipeline_mode = #tpu.pipeline_mode<synchronous>, transform_indices = @transform_4, window_bounds = array<i64: 64, 64>}, {transform_indices = @transform_5, window_bounds = array<i64: 2000, 64>}, {transform_indices = @transform_6, window_bounds = array<i64: 2000, 64>}]} {
    %get3A = arith.constant 0 : index
    %get3A_0 = arith.constant 0 : index
    %get3A_1 = arith.constant 0 : index
    %get3A_2 = vector.load %arg1[%get3A, %get3A_0, %get3A_1] : memref<1x2000x80xf32, #tpu.memory_space<vmem>>, vector<1x2000x80xf32>
    %reduce_sum3A = arith.constant dense<0.000000e+00> : vector<2000x80xf32>
    %reduce_sum3A_3 = vector.multi_reduction <add>, %get3A_2, %reduce_sum3A [0] : vector<1x2000x80xf32> to vector<2000x80xf32>
    %slice3A = vector.extract_strided_slice %reduce_sum3A_3 {offsets = [0, 64], sizes = [2000, 1], strides = [1, 1]} : vector<2000x80xf32> to vector<2000x1xf32>
    %max3A = arith.constant 1.000000e+00 : f32
    %max3A_4 = vector.broadcast %max3A : f32 to vector<2000x1xf32>
    %max3A_5 = arith.maximumf %slice3A, %max3A_4 : vector<2000x1xf32>
    %slice3A_6 = vector.extract_strided_slice %reduce_sum3A_3 {offsets = [0, 0], sizes = [2000, 64], strides = [1, 1]} : vector<2000x80xf32> to vector<2000x64xf32>
    %div3A = vector.broadcast %max3A_5 : vector<2000x1xf32> to vector<2000x64xf32>
    %div3A_7 = arith.divf %slice3A_6, %div3A : vector<2000x64xf32>
    %get3A_8 = arith.constant 0 : index
    %get3A_9 = arith.constant 0 : index
    %get3A_10 = vector.load %arg3[%get3A_8, %get3A_9] : memref<1x64xf32, #tpu.memory_space<vmem>>, vector<1x64xf32>
    %add3A = vector.broadcast %get3A_10 : vector<1x64xf32> to vector<2000x64xf32>
    %add3A_11 = arith.addf %div3A_7, %add3A : vector<2000x64xf32>
    %get3A_12 = arith.constant 0 : index
    %get3A_13 = arith.constant 0 : index
    %get3A_14 = vector.load %arg2[%get3A_12, %get3A_13] : memref<2000x64xf32, #tpu.memory_space<vmem>>, vector<2000x64xf32>
    %add3A_15 = arith.addf %add3A_11, %get3A_14 : vector<2000x64xf32>
    %max3A_16 = arith.constant 0.000000e+00 : f32
    %max3A_17 = vector.broadcast %max3A_16 : f32 to vector<2000x64xf32>
    %max3A_18 = arith.maximumf %add3A_15, %max3A_17 : vector<2000x64xf32>
    %get3A_19 = arith.constant 0 : index
    %get3A_20 = arith.constant 0 : index
    %get3A_21 = vector.load %arg4[%get3A_19, %get3A_20] : memref<64x64xf32, #tpu.memory_space<vmem>>, vector<64x64xf32>
    %dot_general3A = arith.constant dense<0.000000e+00> : vector<2000x64xf32>
    %dot_general3A_22 = tpu.matmul %max3A_18, %get3A_21, %dot_general3A {dimension_numbers = #tpu.dot_dimension_numbers<[1], [0], [0], [1], [0, 0, 1, 1], [], []>, transpose_lhs_hint = false} : vector<2000x64xf32>, vector<64x64xf32>, vector<2000x64xf32> -> vector<2000x64xf32>
    %swap3A = arith.constant 0 : index
    %swap3A_23 = arith.constant 0 : index
    %swap3A_24 = vector.load %arg6[%swap3A, %swap3A_23] : memref<2000x64xf32, #tpu.memory_space<vmem>>, vector<2000x64xf32>
    tpu.vector_store %arg6[%swap3A, %swap3A_23], %dot_general3A_22 {strides = array<i32>} : memref<2000x64xf32, #tpu.memory_space<vmem>>, vector<2000x64xf32>,
    %get3A_25 = arith.constant 0 : index
    %get3A_26 = arith.constant 0 : index
    %get3A_27 = vector.load %arg5[%get3A_25, %get3A_26] : memref<64x64xf32, #tpu.memory_space<vmem>>, vector<64x64xf32>
    %dot_general3A_28 = arith.constant dense<0.000000e+00> : vector<2000x64xf32>
    %dot_general3A_29 = tpu.matmul %max3A_18, %get3A_27, %dot_general3A_28 {dimension_numbers = #tpu.dot_dimension_numbers<[1], [0], [0], [1], [0, 0, 1, 1], [], []>, transpose_lhs_hint = false} : vector<2000x64xf32>, vector<64x64xf32>, vector<2000x64xf32> -> vector<2000x64xf32>
    %swap3A_30 = arith.constant 0 : index
    %swap3A_31 = arith.constant 0 : index
    %swap3A_32 = vector.load %arg7[%swap3A_30, %swap3A_31] : memref<2000x64xf32, #tpu.memory_space<vmem>>, vector<2000x64xf32>
    tpu.vector_store %arg7[%swap3A_30, %swap3A_31], %dot_general3A_29 {strides = array<i32>} : memref<2000x64xf32, #tpu.memory_space<vmem>>, vector<2000x64xf32>,
    return
  }
  func.func @transform_0(%arg0: i32) -> (i32, i32, i32) {
    %c0_i32 = arith.constant 0 : i32
    %c0_i32_0 = arith.constant 0 : i32
    %c0_i32_1 = arith.constant 0 : i32
    return %c0_i32, %arg0, %c0_i32_0 : i32, i32, i32
  }
  func.func @transform_1(%arg0: i32) -> (i32, i32) {
    %c0_i32 = arith.constant 0 : i32
    %c0_i32_0 = arith.constant 0 : i32
    return %arg0, %c0_i32 : i32, i32
  }
  func.func @transform_2(%arg0: i32) -> (i32, i32) {
    %c0_i32 = arith.constant 0 : i32
    %c0_i32_0 = arith.constant 0 : i32
    %c0_i32_1 = arith.constant 0 : i32
    return %c0_i32, %c0_i32_0 : i32, i32
  }
  func.func @transform_3(%arg0: i32) -> (i32, i32) {
    %c0_i32 = arith.constant 0 : i32
    %c0_i32_0 = arith.constant 0 : i32
    %c0_i32_1 = arith.constant 0 : i32
    return %c0_i32, %c0_i32_0 : i32, i32
  }
  func.func @transform_4(%arg0: i32) -> (i32, i32) {
    %c0_i32 = arith.constant 0 : i32
    %c0_i32_0 = arith.constant 0 : i32
    %c0_i32_1 = arith.constant 0 : i32
    return %c0_i32, %c0_i32_0 : i32, i32
  }
  func.func @transform_5(%arg0: i32) -> (i32, i32) {
    %c0_i32 = arith.constant 0 : i32
    %c0_i32_0 = arith.constant 0 : i32
    return %arg0, %c0_i32 : i32, i32
  }
  func.func @transform_6(%arg0: i32) -> (i32, i32) {
    %c0_i32 = arith.constant 0 : i32
    %c0_i32_0 = arith.constant 0 : i32
    return %arg0, %c0_i32 : i32, i32
  }
}

module attributes {stable_mosaic.version = 14 : i64} {
  func.func @_tc_c(%arg0: i32, %arg1: memref<1x2000x80xf32, #tpu.memory_space<vmem>>, %arg2: memref<1x2000x64xf32, #tpu.memory_space<vmem>>, %arg3: memref<2000x64xf32, #tpu.memory_space<vmem>>, %arg4: memref<1x64xf32, #tpu.memory_space<vmem>>, %arg5: memref<64x1xf32, #tpu.memory_space<vmem>>, %arg6: memref<1x1xf32, #tpu.memory_space<vmem>>, %arg7: memref<2000x64xf32, #tpu.memory_space<vmem>>, %arg8: memref<2000x1xf32, #tpu.memory_space<vmem>>) attributes {dimension_semantics = [#tpu.dimension_semantics<arbitrary>], iteration_bounds = array<i64: 5>, scalar_prefetch = 0 : i64, scratch_operands = 0 : i64, tpu.core_type = #tpu.core_type<tc>, window_params = [{transform_indices = @transform_0, window_bounds = array<i64: 1, 2000, 80>}, {transform_indices = @transform_1, window_bounds = array<i64: 1, 2000, 64>}, {transform_indices = @transform_2, window_bounds = array<i64: 2000, 64>}, {pipeline_mode = #tpu.pipeline_mode<synchronous>, transform_indices = @transform_3, window_bounds = array<i64: 1, 64>}, {pipeline_mode = #tpu.pipeline_mode<synchronous>, transform_indices = @transform_4, window_bounds = array<i64: 64, 1>}, {pipeline_mode = #tpu.pipeline_mode<synchronous>, transform_indices = @transform_5, window_bounds = array<i64: 1, 1>}, {transform_indices = @transform_6, window_bounds = array<i64: 2000, 64>}, {transform_indices = @transform_7, window_bounds = array<i64: 2000, 1>}]} {
    %get3A = arith.constant 0 : index
    %get3A_0 = arith.constant 0 : index
    %get3A_1 = arith.constant 0 : index
    %get3A_2 = vector.load %arg1[%get3A, %get3A_0, %get3A_1] : memref<1x2000x80xf32, #tpu.memory_space<vmem>>, vector<1x2000x80xf32>
    %reduce_sum3A = arith.constant dense<0.000000e+00> : vector<2000x80xf32>
    %reduce_sum3A_3 = vector.multi_reduction <add>, %get3A_2, %reduce_sum3A [0] : vector<1x2000x80xf32> to vector<2000x80xf32>
    %get3A_4 = arith.constant 0 : index
    %get3A_5 = arith.constant 0 : index
    %get3A_6 = arith.constant 0 : index
    %get3A_7 = vector.load %arg2[%get3A_4, %get3A_5, %get3A_6] : memref<1x2000x64xf32, #tpu.memory_space<vmem>>, vector<1x2000x64xf32>
    %reduce_sum3A_8 = arith.constant dense<0.000000e+00> : vector<2000x64xf32>
    %reduce_sum3A_9 = vector.multi_reduction <add>, %get3A_7, %reduce_sum3A_8 [0] : vector<1x2000x64xf32> to vector<2000x64xf32>
    %slice3A = vector.extract_strided_slice %reduce_sum3A_3 {offsets = [0, 64], sizes = [2000, 1], strides = [1, 1]} : vector<2000x80xf32> to vector<2000x1xf32>
    %max3A = arith.constant 1.000000e+00 : f32
    %max3A_10 = vector.broadcast %max3A : f32 to vector<2000x1xf32>
    %max3A_11 = arith.maximumf %slice3A, %max3A_10 : vector<2000x1xf32>
    %div3A = vector.broadcast %max3A_11 : vector<2000x1xf32> to vector<2000x64xf32>
    %div3A_12 = arith.divf %reduce_sum3A_9, %div3A : vector<2000x64xf32>
    %get3A_13 = arith.constant 0 : index
    %get3A_14 = arith.constant 0 : index
    %get3A_15 = vector.load %arg4[%get3A_13, %get3A_14] : memref<1x64xf32, #tpu.memory_space<vmem>>, vector<1x64xf32>
    %add3A = vector.broadcast %get3A_15 : vector<1x64xf32> to vector<2000x64xf32>
    %add3A_16 = arith.addf %div3A_12, %add3A : vector<2000x64xf32>
    %get3A_17 = arith.constant 0 : index
    %get3A_18 = arith.constant 0 : index
    %get3A_19 = vector.load %arg3[%get3A_17, %get3A_18] : memref<2000x64xf32, #tpu.memory_space<vmem>>, vector<2000x64xf32>
    %add3A_20 = arith.addf %add3A_16, %get3A_19 : vector<2000x64xf32>
    %max3A_21 = arith.constant 0.000000e+00 : f32
    %max3A_22 = vector.broadcast %max3A_21 : f32 to vector<2000x64xf32>
    %max3A_23 = arith.maximumf %add3A_20, %max3A_22 : vector<2000x64xf32>
    %swap3A = arith.constant 0 : index
    %swap3A_24 = arith.constant 0 : index
    %swap3A_25 = vector.load %arg7[%swap3A, %swap3A_24] : memref<2000x64xf32, #tpu.memory_space<vmem>>, vector<2000x64xf32>
    tpu.vector_store %arg7[%swap3A, %swap3A_24], %max3A_23 {strides = array<i32>} : memref<2000x64xf32, #tpu.memory_space<vmem>>, vector<2000x64xf32>,
    %get3A_26 = arith.constant 0 : index
    %get3A_27 = arith.constant 0 : index
    %get3A_28 = vector.load %arg5[%get3A_26, %get3A_27] : memref<64x1xf32, #tpu.memory_space<vmem>>, vector<64x1xf32>
    %dot_general3A = arith.constant dense<0.000000e+00> : vector<2000x1xf32>
    %dot_general3A_29 = tpu.matmul %max3A_23, %get3A_28, %dot_general3A {dimension_numbers = #tpu.dot_dimension_numbers<[1], [0], [0], [1], [0, 0, 1, 1], [], []>, transpose_lhs_hint = false} : vector<2000x64xf32>, vector<64x1xf32>, vector<2000x1xf32> -> vector<2000x1xf32>
    %get3A_30 = arith.constant 0 : index
    %get3A_31 = arith.constant 0 : index
    %get3A_32 = vector.load %arg6[%get3A_30, %get3A_31] : memref<1x1xf32, #tpu.memory_space<vmem>>, vector<1x1xf32>
    %add3A_33 = vector.broadcast %get3A_32 : vector<1x1xf32> to vector<2000x1xf32>
    %add3A_34 = arith.addf %dot_general3A_29, %add3A_33 : vector<2000x1xf32>
    %swap3A_35 = arith.constant 0 : index
    %swap3A_36 = arith.constant 0 : index
    %swap3A_37 = vector.load %arg8[%swap3A_35, %swap3A_36] : memref<2000x1xf32, #tpu.memory_space<vmem>>, vector<2000x1xf32>
    tpu.vector_store %arg8[%swap3A_35, %swap3A_36], %add3A_34 {strides = array<i32>} : memref<2000x1xf32, #tpu.memory_space<vmem>>, vector<2000x1xf32>,
    return
  }
  func.func @transform_0(%arg0: i32) -> (i32, i32, i32) {
    %c0_i32 = arith.constant 0 : i32
    %c0_i32_0 = arith.constant 0 : i32
    %c0_i32_1 = arith.constant 0 : i32
    return %c0_i32, %arg0, %c0_i32_0 : i32, i32, i32
  }
  func.func @transform_1(%arg0: i32) -> (i32, i32, i32) {
    %c0_i32 = arith.constant 0 : i32
    %c0_i32_0 = arith.constant 0 : i32
    %c0_i32_1 = arith.constant 0 : i32
    return %c0_i32, %arg0, %c0_i32_0 : i32, i32, i32
  }
  func.func @transform_2(%arg0: i32) -> (i32, i32) {
    %c0_i32 = arith.constant 0 : i32
    %c0_i32_0 = arith.constant 0 : i32
    return %arg0, %c0_i32 : i32, i32
  }
  func.func @transform_3(%arg0: i32) -> (i32, i32) {
    %c0_i32 = arith.constant 0 : i32
    %c0_i32_0 = arith.constant 0 : i32
    %c0_i32_1 = arith.constant 0 : i32
    return %c0_i32, %c0_i32_0 : i32, i32
  }
  func.func @transform_4(%arg0: i32) -> (i32, i32) {
    %c0_i32 = arith.constant 0 : i32
    %c0_i32_0 = arith.constant 0 : i32
    %c0_i32_1 = arith.constant 0 : i32
    return %c0_i32, %c0_i32_0 : i32, i32
  }
  func.func @transform_5(%arg0: i32) -> (i32, i32) {
    %c0_i32 = arith.constant 0 : i32
    %c0_i32_0 = arith.constant 0 : i32
    %c0_i32_1 = arith.constant 0 : i32
    return %c0_i32, %c0_i32_0 : i32, i32
  }
  func.func @transform_6(%arg0: i32) -> (i32, i32) {
    %c0_i32 = arith.constant 0 : i32
    %c0_i32_0 = arith.constant 0 : i32
    return %arg0, %c0_i32 : i32, i32
  }
  func.func @transform_7(%arg0: i32) -> (i32, i32) {
    %c0_i32 = arith.constant 0 : i32
    %c0_i32_0 = arith.constant 0 : i32
    return %arg0, %c0_i32 : i32, i32
  }
}

</mosaic_0001>

<sc_bundles>
// kernel: kernel.10.cloned.1.call-start
scs
__scs_entry_jumppad:
0x0: {  	(pc) =	sbr.rel $0x88, $3  }
0x1: {  	(tag) =	ssettag $0x0;
	lr =	simm.s32 $0x1  }
0x2: {  	[smem:$0x3F97] =	sst lr;
	_ =	strace $0xD0000000  }
0x3: {  	_ = 	snop  }
0x4: {  	_ = 	snop  }
0x5: {  	_ = 	snop  }
0x6: {  	_ = 	snop  }
0x7: {  	_ = 	snop  }
__scs_overlays_trampoline_lowered:
0x8: {  	[smem:$0x3FA6] =	sst s0  }
0x9: {  	[smem:$0x3FA7] =	sst s1  }
0xa: {  	[smem:$0x3FA8] =	sst s2  }
0xb: {  	[smem:$0x3FA9] =	sst s3  }
0xc: {  	[smem:$0x3FAA] =	sst s4  }
0xd: {  	[smem:$0x3FAB] =	sst s5  }
0xe: {  	[smem:$0x3FAC] =	sst s6  }
0xf: {  	[smem:$0x3FAD] =	sst s7  }
0x10: {  	[smem:$0x3FAE] =	sst s8  }
0x11: {  	[smem:$0x3FAF] =	sst s9;
	s0 =	simm.s32 @!p0 $0x0  }
0x12: {  	s1 =	sld [smem:$0x3F95];
	s0 =	simm.s32 @p0 $0x1  }
0x13: {  	[smem:$0x3FB0] =	sst s0;
	s0 =	simm.s32 @!p1 $0x0  }
0x14: {  	s2 =	sld [smem:$0x3F94];
	s0 =	simm.s32 @p1 $0x1  }
0x15: {  	[smem:$0x3FB1] =	sst s0;
	s0 =	simm.s32 @!p2 $0x0  }
0x16: {  	s3 =	sld [smem:$0x3FDB];
	s0 =	simm.s32 @p2 $0x1  }
0x17: {  	s4 =	simm.s32 $0x1BF5;
	[smem:$0x3FB3] =	sst s0  }
0x18: {  	s0 =	sld [smem:$0x3F96];
	_ =	swait.ge [sflag:s4], $0x0  }
0x19: {  	s7 =	sld [smem:$0x3F97]  }
0x1a: {  	s8 =	sadd.s32 $0xFFFFE003, lr  }
0x1b: {  	s9 =	sadd.s32 $0xFFFFFEF7, lr;
	s5 =	simm.s32 $0xFFFFFFFF;
	p2 =	slt.u32 s8, $0xFFFFF086  }
0x1c: {  	p1 =	slt.u32 s9, $0xF7A;
	s5 =	simm.s32 @!p2 $0x0  }
0x1d: {  	s5 =	simm.s32 @p1 $0x1;
	p0 =	seq.s32 s7, s2  }
0x1e: {  	s7 =	smul.u32 @!p0 $0xF7A, s2;
	p2 =	seq.s32 @!p0 s5, $0x0  }
0x1f: {  	s9 =	smul.u32 $0xF7A, s1;
	s8 =	simm.s32 @!p0 $0x1BF5;
	p2 =	por !p2, p0  }
0x20: {  	[sflag:s8] =	ssyncset.s32 @!p0 $0xFFFFF086;
	s6 =	sadd.s32 @!p0 s3, s7;
	s7 =	simm.s32 @!p0 $0x108  }
0x21: {  	s3 =	sadd.s32 s3, s9;
	s6 =	sadd.s32 @!p0 $0x88, s6;
	s7 =	simm.s32 @p2 $0x1082  }
0x22: {  	[simem:s7], [sflag:s8] =	dma.local @!p0 [hbm:s6], $0xF7A  }
0x23: {  	s9 =	sor.u32 $0xD0000000, s2;
	s6 =	simm.s32 $0x108;
	_ =	swait.ge @!p0 [sflag:s8], $0x0  }
0x24: {  	s3 =	sadd.s32 $0x88, s3;
	s6 =	simm.s32 @!p1 $0x1082;
	[sflag:s4] =	ssyncset.s32 $0xFFFFF086  }
0x25: {  	[simem:s6], [sflag:s4] =	dma.local [hbm:s3], $0xF7A  }
0x26: {  	[smem:$0x3F97] =	sst s1;
	(tag) =	ssettag s2;
	_ =	strace s9  }
0x27: {  	s1 =	sld [smem:$0x3FA7]  }
0x28: {  	s2 =	sld [smem:$0x3FA8]  }
0x29: {  	s4 =	sld [smem:$0x3FAA]  }
0x2a: {  	p0 =	seq.s32 s5, $0x0;
	s5 =	sld [smem:$0x3FAB]  }
0x2b: {  	s6 =	sld [smem:$0x3FAC]  }
0x2c: {  	s7 =	sld [smem:$0x3FAD]  }
0x2d: {  	s3 =	simm.s32 $0x108;
	s8 =	sld [smem:$0x3FAE]  }
0x2e: {  	s3 =	simm.s32 @!p0 $0x1082;
	s9 =	sld [smem:$0x3FAF]  }
0x2f: {  	lr =	sadd.s32 s0, s3;
	s0 =	sld [smem:$0x3FA6]  }
0x30: {  	s3 =	sld [smem:$0x3FA9]  }
0x31: {  	[smem:$0x3FB2] =	sst s10  }
0x32: {  	s10 =	sld [smem:$0x3FB0];
	_ =	sdelay $0x3  }
0x33: {  	p0 =	seq.s32 s10, $0x1;
	s10 =	sld [smem:$0x3FB2];
	_ =	sdelay $0x3  }
0x34: {  	[smem:$0x3FB2] =	sst s10  }
0x35: {  	s10 =	sld [smem:$0x3FB1];
	_ =	sdelay $0x3  }
0x36: {  	p1 =	seq.s32 s10, $0x1;
	s10 =	sld [smem:$0x3FB2];
	_ =	sdelay $0x3  }
0x37: {  	[smem:$0x3FB2] =	sst s10  }
0x38: {  	s10 =	sld [smem:$0x3FB3]  }
0x39: {  	_ = 	snop;
	(pc) =	sbr.ind lr, $3  }
0x3a: {  	_ = 	snop  }
0x3b: {  	_ = 	snop  }
0x3c: {  	p2 =	seq.s32 s10, $0x1;
	s10 =	sld [smem:$0x3FB2]  }
0x3d: {  	_ =	shalt  }
0x3e: {  	_ =	shalt  }
0x3f: {  	_ =	shalt  }
0x40: {  	_ =	shalt  }
0x41: {  	_ =	shalt  }
0x42: {  	_ =	shalt  }
0x43: {  	_ =	shalt  }
0x44: {  	_ =	shalt  }
0x45: {  	_ =	shalt  }
0x46: {  	_ =	shalt  }
0x47: {  	_ =	shalt  }
0x48: {  	_ =	shalt  }
0x49: {  	_ =	shalt  }
0x4a: {  	_ =	shalt  }
0x4b: {  	_ =	shalt  }
0x4c: {  	_ =	shalt  }
0x4d: {  	_ =	shalt  }
0x4e: {  	_ =	shalt  }
0x4f: {  	_ =	shalt  }
0x50: {  	_ =	shalt  }
0x51: {  	_ =	shalt  }
0x52: {  	_ =	shalt  }
0x53: {  	_ =	shalt  }
0x54: {  	_ =	shalt  }
0x55: {  	_ =	shalt  }
0x56: {  	_ =	shalt  }
0x57: {  	_ =	shalt  }
0x58: {  	_ =	shalt  }
0x59: {  	_ =	shalt  }
0x5a: {  	_ =	shalt  }
0x5b: {  	_ =	shalt  }
0x5c: {  	_ =	shalt  }
0x5d: {  	_ =	shalt  }
0x5e: {  	_ =	shalt  }
0x5f: {  	_ =	shalt  }
0x60: {  	_ =	shalt  }
0x61: {  	_ =	shalt  }
0x62: {  	_ =	shalt  }
0x63: {  	_ =	shalt  }
0x64: {  	_ =	shalt  }
0x65: {  	_ =	shalt  }
0x66: {  	_ =	shalt  }
0x67: {  	_ =	shalt  }
0x68: {  	_ =	shalt  }
0x69: {  	_ =	shalt  }
0x6a: {  	_ =	shalt  }
0x6b: {  	_ =	shalt  }
0x6c: {  	_ =	shalt  }
0x6d: {  	_ =	shalt  }
0x6e: {  	_ =	shalt  }
0x6f: {  	_ =	shalt  }
0x70: {  	_ =	shalt  }
0x71: {  	_ =	shalt  }
0x72: {  	_ =	shalt  }
0x73: {  	_ =	shalt  }
0x74: {  	_ =	shalt  }
0x75: {  	_ =	shalt  }
0x76: {  	_ =	shalt  }
0x77: {  	_ =	shalt  }
0x78: {  	_ =	shalt  }
0x79: {  	_ =	shalt  }
0x7a: {  	_ =	shalt  }
0x7b: {  	_ =	shalt  }
0x7c: {  	_ =	shalt  }
0x7d: {  	_ =	shalt  }
0x7e: {  	_ =	shalt  }
0x7f: {  	_ =	shalt  }
0x80: {  	_ =	shalt  }
0x81: {  	_ =	shalt  }
0x82: {  	_ =	shalt  }
0x83: {  	_ =	shalt  }
0x84: {  	_ =	shalt  }
0x85: {  	_ =	shalt  }
0x86: {  	_ =	shalt  }
0x87: {  	_ =	shalt  }
.Lfunc_end0:
.L_simem_size_0:
called_computation.1_lowered:
.L_overlay_start_0:
0x88: {  	s0 =	sld [smem:$0x3FD9]  }
0x89: {  	s1 =	sld [smem:$0x3FFE];
	_ =	sdelay $0x3  }
0x8a: {  	s0 =	sadd.s32 s1, s0  }
0x8b: {  	[smem:$0x3FBE] =	sst s0  }
0x8c: {  	_ = 	snop  }
0x8d: {  	s0 =	sld [smem:$0x3FD0];
	_ =	sdelay $0x2  }
0x8e: {  	s13 =	simm.s32 $0xA;
	s2 =	simm.s32 $0x10  }
0x8f: {  	[smem:s2], [sflag:s13] =	dma.local [hbm:s0], $0x1  }
0x90: {  	_ =	swait.eq [sflag:s13], $0x1  }
0x91: {  	[sflag:s13] =	ssyncset.done $0x0  }
0x92: {  	[sflag:s13] =	ssyncadd.s32 $0xFFFFFFFF  }
0x93: {  	s14 =	sld [smem:$0x11];
	(tm) =	ssettm $0x1  }
0x94: {  	s15 =	sld [smem:$0x3FFB];
	_ =	sdelay $0x3  }
0x95: {  	_ =	strace s15  }
0x96: {  	s1 =	sld [smem:$0x3FFC];
	_ =	sdelay $0x3  }
0x97: {  	_ =	strace s1  }
0x98: {  	s1 =	sld [smem:$0x3FFD];
	_ =	sdelay $0x3  }
0x99: {  	_ =	strace s1  }
0x9a: {  	_ =	strace $0x8FFFFFFF  }
0x9b: {  	s16 =	sld [smem:$0x3FDB];
	_ =	sdelay $0x1  }
0x9c: {  	s17 =	simm.s32 $_scs_section_size  }
0x9d: {  	s3 =	simm.s32 $_size__tile_overlayer_lowered;
	s4 =	simm.s32 $_tile_overlayer_lowered  }
0x9e: {  	s20 =	simm.s32 $0x1BFF;
	s19 =	sshll.u32 s4, $0x1;
	s1 =	sadd.s32 s17, s16  }
0x9f: {  	s5 =	simm.s32 $0x0;
	s18 =	sshll.u32 s3, $0x1;
	s3 =	sadd.s32 s19, s1  }
0xa0: {  	[timem:s5], [sflag:s20] =	dma.local [hbm:s3], s18  }
0xa1: {  	_ =	swait.ge [sflag:s20], s18  }
0xa2: {  	s2 =	ssub.s32 $0x0, s18;
	[sflag:s20] =	ssyncset.done $0x0  }
0xa3: {  	[sflag:s20] =	ssyncadd.s32 s2;
	_ =	sdelay $0x1  }
0xa4: {  	s21 =	simm.s32 $0x1B8B  }
0xa5: {  	_ =	swait.ge [sflag:s21], $0x1  }
0xa6: {  	[sflag:s21] =	ssyncset.done $0x0  }
0xa7: {  	s23 =	simm.s32 $0x1B8E;
	s22 =	sld [smem:$0x3FFE];
	[sflag:s21] =	ssyncadd.s32 $0xFFFFFFFF  }
0xa8: {  	s24 =	simm.s32 $execute0_lowered;
	[smem:$0x3FD2] =	sst s23  }
0xa9: {  	s3 =	sshll.u32 s24, $0x1;
	_ =	strace $0x80000049;
	[dreg:$0x1] =	wrdreg $0xFFFFFFFF  }
0xaa: {  	s25 =	simm.s32 $_size_execute0_lowered;
	s1 =	sadd.s32 s1, s3;
	[dreg:$0x0] =	wrdreg $0x0  }
0xab: {  	s3 =	sshll.u32 s25, $0x1;
	[dreg:$0x2] =	wrdreg s1  }
0xac: {  	[dreg:$0x3] =	wrdreg s3  }
0xad: {  	[dreg:$0x4] =	wrdreg $0xC0  }
0xae: {  	_ =	task [dreg:s5], $0x5FFFF  }
0xaf: {  	[dreg:$0x1] =	wrdreg $0xFFFFFFFF  }
0xb0: {  	[dreg:$0x0] =	wrdreg $0x60  }
0xb1: {  	[dreg:$0x2] =	wrdreg s22  }
0xb2: {  	[dreg:$0x3] =	wrdreg s14  }
0xb3: {  	[dreg:$0x4] =	wrdreg $0x0  }
0xb4: {  	[dreg:$0x5] =	wrdreg $0x9  }
0xb5: {  	_ =	task.clear_ibuf [dreg:s5], $0x6FFFF;
	_ =	strace $0x90000049  }
0xb6: {  	s26 =	simm.s32 $0x9;
	_ =	strace $0x8000004B  }
0xb7: {  	_ =	swait.ge [sflag:s26], $0x1  }
0xb8: {  	[sflag:s26] =	ssyncadd.s32 $0xFFFFFFFF  }
0xb9: {  	_ =	strace $0x9000004B  }
0xba: {  	_ =	sfence  }
0xbb: {  	s28 =	sld [smem:$0x0];
	_ =	sdelay $0x1  }
0xbc: {  	s29 =	srdreg.scid  }
0xbd: {  	s30 =	sshll.u32 s29, $0xD;
	s31 =	sshrl.u32 s29, $0x2  }
0xbe: {  	s2 =	sand.u32 $0x4000, s30;
	s1 =	sand.u32 $0x1, s29;
	s0 =	sadd.s32 s31, s28  }
0xbf: {  	s1 =	sor.u32 s2, s1;
	s0 =	sshll.u32 s0, $0x11  }
0xc0: {  	s0 =	sor.u32 s0, s1  }
0xc1: {  	s0 =	sadd.s32 $0x8F2B, s0  }
0xc2: {  	[sflag:s0] =	ssyncadd.remote.s32 $0x1  }
0xc3: {  	_ =	sfence.sel $0xFFFF  }
0xc4: {  	[dreg:$0x0] =	wrdreg $0xFFFFFFFF;
	(pc) =	sbr.abs _section_cstart, $3  }
0xc5: {  	[dreg:$0x1] =	wrdreg $0xFFFFFFFF  }
0xc6: {  	_ =	task.clear_ibuf [dreg:s5], $0x2FFFF;
	_ =	strace $0x9FFFFFFF  }
0xc7: {  	(tm) =	ssettm $0x7FFFFFFF  }
tec
execute0_lowered:
.L_overlay_start_1:
0x0: {  	(tag) =	ssettag $0x1  }
0x1: {  	s12 =	rddreg [dreg:$0x0]  }
0x2: {  	s4 =	rddreg [dreg:$0x1]  }
0x3: {  	s2 =	rddreg [dreg:$0x2];
	s1 =	stileid.u32  }
0x4: {  	s0 =	rddreg [dreg:$0x3];
	s7 =	simm.s32 $0x0;
	s3 =	smul.u32 $0x9E00, s1  }
0x5: {  	[smem:$0x7FF] =	sst s7  }
0x6: {  	s6 =	sshll.u32 s1, $0x6;
	s5 =	sadd.s32 s3, s2;
	s3 =	sshrl.u32 s3, $0x3  }
0x7: {  	s28 =	smul.u32 $0x9D0, s1;
	_ =	strace $0x8000004A;
	s8 =	sadd.s32 s4, s3  }
0x8: {  	s4 =	sor.u32 $0x1C03, s6;
	s5 =	sshrl.u32 s5, $0x3;
	s6 =	simm.s32 $0x3  }
0x9: {  	[spmem:s5], [sflag:s4] =	dma.local [hbm:s8], $0x13C0  }
0xa: {  	_ =	swait.ge [sflag:s6], $0x13C0  }
0xb: {  	s8 =	sadd.s32 s28, s12;
	[sflag:s6] =	ssyncset.done $0x0  }
0xc: {  	s10 =	simm.s32 $0x9E00;
	s9 =	sadd.s32 $0x23600, s8;
	[sflag:s6] =	ssyncadd.s32 $0xFFFFEC40  }
0xd: {  	[tilespmem:s10], [sflag:$0x3] =	stream.linear.gather [hbm4b:s9+s7], $0x4E80, $0x38;
	[tilespmem:$0x17B00] =	vst v63  }
0xe: {  	_ =	swait.ge [sflag:s6], $0x4E80  }
0xf: {  	[sflag:s6] =	ssyncset.done $0x0  }
0x10: {  	s29 =	simm.s32 $0xEC80;
	s8 =	sadd.s32 $0x19800, s8;
	[sflag:s6] =	ssyncadd.s32 $0xFFFFB180  }
0x11: {  	[tilespmem:s29], [sflag:$0x3] =	stream.linear.gather [hbm4b:s8+s7], $0x4E80, $0x38;
	[tilespmem:$0x17B00] =	vst v63  }
0x12: {  	_ =	swait.ge [sflag:s6], $0x4E80  }
0x13: {  	[sflag:s6] =	ssyncset.done $0x0  }
0x14: {  	s9 =	simm.s32 $0x13B00;
	[sflag:s6] =	ssyncadd.s32 $0xFFFFB180  }
0x15: {  	s7 =	sadd.s32 $0x1000, s12;
	s8 =	simm.s32 $0x80;
	[bflag:$0x0] =	sbarrier.arrive $0xFFFF  }
0x16: {  	[tilespmem:s9], [sflag:$0x1] =	stream.indirect.gather [hbm4b:s7+s8], $0x40, s10, s8, $0xb8;
	[tilespmem:$0x17B00] =	vst v63  }
0x17: {  	s10 =	simm.s32 $0x1  }
0x18: {  	_ =	swait.ge [sflag:s10], $0x2000  }
0x19: {  	[sflag:s10] =	ssyncset.done $0x0  }
0x1a: {  	s11 =	simm.s32 $0x15B00;
	s13 =	simm.s32 $0x9E80;
	[sflag:s10] =	ssyncadd.s32 $0xFFFFE000  }
0x1b: {  	[tilespmem:s11], [sflag:$0x2] =	stream.indirect.gather [hbm4b:s7+s8], $0x40, s13, s8, $0xb8;
	[tilespmem:$0x17B00] =	vst v63  }
0x1c: {  	s30 =	simm.s32 $0xEC80  }
0x1d: {  	[spmem:s2] =	stream.indirect.scatter.add.f32 [tilespmem:s9], [sflag:$0x3], $0x40, s30, s8, $0xb8;
	[tilespmem:$0x17B00] =	vst v63  }
0x1e: {  	_ =	swait.ge [sflag:s6], $0x2000  }
0x1f: {  	[sflag:s6] =	ssyncset.done $0x0  }
0x20: {  	s13 =	simm.s32 $0x2;
	[sflag:s6] =	ssyncadd.s32 $0xFFFFE000  }
0x21: {  	_ =	swait.ge [sflag:s13], $0x2000  }
0x22: {  	[sflag:s13] =	ssyncset.done $0x0  }
0x23: {  	s14 =	simm.s32 $0x9F00;
	[sflag:s13] =	ssyncadd.s32 $0xFFFFE000  }
0x24: {  	[tilespmem:s9], [sflag:$0x1] =	stream.indirect.gather [hbm4b:s7+s8], $0x40, s14, s8, $0xb8;
	[tilespmem:$0x17B00] =	vst v63  }
0x25: {  	s31 =	simm.s32 $0xED00  }
0x26: {  	[spmem:s2] =	stream.indirect.scatter.add.f32 [tilespmem:s11], [sflag:$0x3], $0x40, s31, s8, $0xb8;
	[tilespmem:$0x17B00] =	vst v63  }
0x27: {  	_ =	swait.ge [sflag:s6], $0x2000  }
0x28: {  	s12 =	sadd.s32 $0x2D400, s12;
	s14 =	simm.s32 $0x400;
	[sflag:s6] =	ssyncset.done $0x0  }
.LBB2_1:
0x29: {  	p0 =	sne.s32 s14, $0x13400  }
0x2a: {  	[sflag:s6] =	ssyncadd.s32 $0xFFFFE000;
	s15 =	smov.u32 s14;
	s14 =	sadd.s32 $0x400, s14  }
0x2b: {  	_ = 	snop  }
0x2c: {  	_ =	swait.ge [sflag:s10], $0x2000  }
0x2d: {  	s15 =	sshra.s32 s15, $0x2;
	[sflag:s10] =	ssyncset.done $0x0  }
0x2e: {  	s16 =	sadd.s32 $0x9E80, s15;
	[sflag:s10] =	ssyncadd.s32 $0xFFFFE000  }
0x2f: {  	[tilespmem:s11], [sflag:$0x2] =	stream.indirect.gather [hbm4b:s7+s8], $0x40, s16, s8, $0xb8;
	[tilespmem:$0x17B00] =	vst v63  }
0x30: {  	s16 =	sadd.s32 $0xEC80, s15  }
0x31: {  	[spmem:s2] =	stream.indirect.scatter.add.f32 [tilespmem:s9], [sflag:$0x3], $0x40, s16, s8, $0xb8;
	[tilespmem:$0x17B00] =	vst v63  }
0x32: {  	_ =	swait.ge [sflag:s6], $0x2000  }
0x33: {  	[sflag:s6] =	ssyncset.done $0x0  }
0x34: {  	[sflag:s6] =	ssyncadd.s32 $0xFFFFE000  }
0x35: {  	_ =	swait.ge [sflag:s13], $0x2000  }
0x36: {  	[sflag:s13] =	ssyncset.done $0x0  }
0x37: {  	s16 =	sadd.s32 $0x9F00, s15;
	[sflag:s13] =	ssyncadd.s32 $0xFFFFE000  }
0x38: {  	[tilespmem:s9], [sflag:$0x1] =	stream.indirect.gather [hbm4b:s7+s8], $0x40, s16, s8, $0xb8;
	[tilespmem:$0x17B00] =	vst v63  }
.Ltmp0:
0x39: {  	_ = 	snop;
	(pc) =	sbr.rel @p0 .LBB2_1-.Ltmp0, $4  }
0x3a: {  	s15 =	sadd.s32 $0xED00, s15  }
0x3b: {  	[spmem:s2] =	stream.indirect.scatter.add.f32 [tilespmem:s11], [sflag:$0x3], $0x40, s15, s8, $0xb8;
	[tilespmem:$0x17B00] =	vst v63  }
0x3c: {  	_ =	swait.ge [sflag:s6], $0x2000  }
0x3d: {  	[sflag:s6] =	ssyncset.done $0x0  }
0x3e: {  	[sflag:s6] =	ssyncadd.s32 $0xFFFFE000;
	s29 =	simm.s32 $0x1  }
0x3f: {  	_ =	swait.ge [sflag:s29], $0x2000  }
0x40: {  	s30 =	simm.s32 $0x80;
	s7 =	simm.s32 $0x13A80;
	[sflag:s29] =	ssyncset.done $0x0  }
0x41: {  	s8 =	simm.s32 $0x13B00;
	s31 =	simm.s32 $0x3;
	[sflag:s29] =	ssyncadd.s32 $0xFFFFE000  }
0x42: {  	[spmem:s2] =	stream.indirect.scatter.add.f32 [tilespmem:s8], [sflag:$0x3], $0x40, s7, s30, $0xb8;
	[tilespmem:$0x17B00] =	vst v63  }
0x43: {  	_ =	swait.ge [sflag:s31], $0x2000  }
0x44: {  	[sflag:s31] =	ssyncset.done $0x0  }
0x45: {  	[sflag:s31] =	ssyncadd.s32 $0xFFFFE000  }
0x46: {  	s3 =	sadd.s32 s12, s3;
	[bflag:$0x0] =	sbarrier.arrive $0xFFFF  }
0x47: {  	[hbm:s3], [sflag:s4] =	dma.local [spmem:s5], $0x13C0  }
0x48: {  	_ =	swait.ge [sflag:s31], $0x13C0  }
0x49: {  	[sflag:s31] =	ssyncset.done $0x0  }
0x4a: {  	[sflag:s31] =	ssyncadd.s32 $0xFFFFEC40  }
0x4b: {  	_ =	sfence.sel $0x180000  }
0x4c: {  	[bflag:$0x0] =	sbarrier.arrive $0xFFFF  }
0x4d: {  	p0 =	sne.s32 s1, $0x0;
	_ =	strace $0x9000004A  }
0x4e: {  	s0 =	sadd.s32 @!p0 $0x100000, s0;
	[bflag:$0x2] =	sbarrier.arrive $0xFFFF  }
0x4f: {  	[sflag:s0] =	ssyncadd.tile.s32 @!p0 $0x1;
	_ =	shalt  }
.Lfunc_end2:
_tile_overlayer_lowered:
.L_overlay_start_2:
0x50: {  	(tag) =	ssettag $0x2  }
0x51: {  	s0 =	rddreg [dreg:$0x0];
	s2 =	stileid.u32  }
0x52: {  	s1 =	rddreg [dreg:$0x1];
	p0 =	sne.s32 s2, $0x0  }
0x53: {  	s3 =	rddreg [dreg:$0x2];
	[bflag:$0x3] =	sbarrier.arrive $0xFFFF;
	s2 =	simm.s32 @!p0 $0x1C03  }
0x54: {  	[timem:s3], [sflag:s2] =	dma.local @!p0 [hbm:s0], s1  }
0x55: {  	s0 =	simm.s32 @!p0 $0x3  }
0x56: {  	_ =	swait.ge @!p0 [sflag:s0], s1  }
0x57: {  	s1 =	ssub.s32 @!p0 $0x0, s1;
	[sflag:s0] =	ssyncset.done @!p0 $0x0  }
0x58: {  	[sflag:s0] =	ssyncadd.s32 @!p0 s1  }
0x59: {  	[bflag:$0x3] =	sbarrier.arrive $0xFFFF  }
0x5a: {  	_ =	shalt  }

// kernel: kernel.7.cloned.1.call-start
scs
__scs_entry_jumppad:
0x0: {  	(pc) =	sbr.rel $0x88, $3  }
0x1: {  	(tag) =	ssettag $0x0;
	lr =	simm.s32 $0x1  }
0x2: {  	[smem:$0x3F97] =	sst lr;
	_ =	strace $0xD0000000  }
0x3: {  	_ = 	snop  }
0x4: {  	_ = 	snop  }
0x5: {  	_ = 	snop  }
0x6: {  	_ = 	snop  }
0x7: {  	_ = 	snop  }
__scs_overlays_trampoline_lowered:
0x8: {  	[smem:$0x3FA6] =	sst s0  }
0x9: {  	[smem:$0x3FA7] =	sst s1  }
0xa: {  	[smem:$0x3FA8] =	sst s2  }
0xb: {  	[smem:$0x3FA9] =	sst s3  }
0xc: {  	[smem:$0x3FAA] =	sst s4  }
0xd: {  	[smem:$0x3FAB] =	sst s5  }
0xe: {  	[smem:$0x3FAC] =	sst s6  }
0xf: {  	[smem:$0x3FAD] =	sst s7  }
0x10: {  	[smem:$0x3FAE] =	sst s8  }
0x11: {  	[smem:$0x3FAF] =	sst s9;
	s0 =	simm.s32 @!p0 $0x0  }
0x12: {  	s1 =	sld [smem:$0x3F95];
	s0 =	simm.s32 @p0 $0x1  }
0x13: {  	[smem:$0x3FB0] =	sst s0;
	s0 =	simm.s32 @!p1 $0x0  }
0x14: {  	s2 =	sld [smem:$0x3F94];
	s0 =	simm.s32 @p1 $0x1  }
0x15: {  	[smem:$0x3FB1] =	sst s0;
	s0 =	simm.s32 @!p2 $0x0  }
0x16: {  	s3 =	sld [smem:$0x3FDB];
	s0 =	simm.s32 @p2 $0x1  }
0x17: {  	s4 =	simm.s32 $0x1BF5;
	[smem:$0x3FB3] =	sst s0  }
0x18: {  	s0 =	sld [smem:$0x3F96];
	_ =	swait.ge [sflag:s4], $0x0  }
0x19: {  	s7 =	sld [smem:$0x3F97]  }
0x1a: {  	s8 =	sadd.s32 $0xFFFFE003, lr  }
0x1b: {  	s9 =	sadd.s32 $0xFFFFFEF7, lr;
	s5 =	simm.s32 $0xFFFFFFFF;
	p2 =	slt.u32 s8, $0xFFFFF086  }
0x1c: {  	p1 =	slt.u32 s9, $0xF7A;
	s5 =	simm.s32 @!p2 $0x0  }
0x1d: {  	s5 =	simm.s32 @p1 $0x1;
	p0 =	seq.s32 s7, s2  }
0x1e: {  	s7 =	smul.u32 @!p0 $0xF7A, s2;
	p2 =	seq.s32 @!p0 s5, $0x0  }
0x1f: {  	s9 =	smul.u32 $0xF7A, s1;
	s8 =	simm.s32 @!p0 $0x1BF5;
	p2 =	por !p2, p0  }
0x20: {  	[sflag:s8] =	ssyncset.s32 @!p0 $0xFFFFF086;
	s6 =	sadd.s32 @!p0 s3, s7;
	s7 =	simm.s32 @!p0 $0x108  }
0x21: {  	s3 =	sadd.s32 s3, s9;
	s6 =	sadd.s32 @!p0 $0x88, s6;
	s7 =	simm.s32 @p2 $0x1082  }
0x22: {  	[simem:s7], [sflag:s8] =	dma.local @!p0 [hbm:s6], $0xF7A  }
0x23: {  	s9 =	sor.u32 $0xD0000000, s2;
	s6 =	simm.s32 $0x108;
	_ =	swait.ge @!p0 [sflag:s8], $0x0  }
0x24: {  	s3 =	sadd.s32 $0x88, s3;
	s6 =	simm.s32 @!p1 $0x1082;
	[sflag:s4] =	ssyncset.s32 $0xFFFFF086  }
0x25: {  	[simem:s6], [sflag:s4] =	dma.local [hbm:s3], $0xF7A  }
0x26: {  	[smem:$0x3F97] =	sst s1;
	(tag) =	ssettag s2;
	_ =	strace s9  }
0x27: {  	s1 =	sld [smem:$0x3FA7]  }
0x28: {  	s2 =	sld [smem:$0x3FA8]  }
0x29: {  	s4 =	sld [smem:$0x3FAA]  }
0x2a: {  	p0 =	seq.s32 s5, $0x0;
	s5 =	sld [smem:$0x3FAB]  }
0x2b: {  	s6 =	sld [smem:$0x3FAC]  }
0x2c: {  	s7 =	sld [smem:$0x3FAD]  }
0x2d: {  	s3 =	simm.s32 $0x108;
	s8 =	sld [smem:$0x3FAE]  }
0x2e: {  	s3 =	simm.s32 @!p0 $0x1082;
	s9 =	sld [smem:$0x3FAF]  }
0x2f: {  	lr =	sadd.s32 s0, s3;
	s0 =	sld [smem:$0x3FA6]  }
0x30: {  	s3 =	sld [smem:$0x3FA9]  }
0x31: {  	[smem:$0x3FB2] =	sst s10  }
0x32: {  	s10 =	sld [smem:$0x3FB0];
	_ =	sdelay $0x3  }
0x33: {  	p0 =	seq.s32 s10, $0x1;
	s10 =	sld [smem:$0x3FB2];
	_ =	sdelay $0x3  }
0x34: {  	[smem:$0x3FB2] =	sst s10  }
0x35: {  	s10 =	sld [smem:$0x3FB1];
	_ =	sdelay $0x3  }
0x36: {  	p1 =	seq.s32 s10, $0x1;
	s10 =	sld [smem:$0x3FB2];
	_ =	sdelay $0x3  }
0x37: {  	[smem:$0x3FB2] =	sst s10  }
0x38: {  	s10 =	sld [smem:$0x3FB3]  }
0x39: {  	_ = 	snop;
	(pc) =	sbr.ind lr, $3  }
0x3a: {  	_ = 	snop  }
0x3b: {  	_ = 	snop  }
0x3c: {  	p2 =	seq.s32 s10, $0x1;
	s10 =	sld [smem:$0x3FB2]  }
0x3d: {  	_ =	shalt  }
0x3e: {  	_ =	shalt  }
0x3f: {  	_ =	shalt  }
0x40: {  	_ =	shalt  }
0x41: {  	_ =	shalt  }
0x42: {  	_ =	shalt  }
0x43: {  	_ =	shalt  }
0x44: {  	_ =	shalt  }
0x45: {  	_ =	shalt  }
0x46: {  	_ =	shalt  }
0x47: {  	_ =	shalt  }
0x48: {  	_ =	shalt  }
0x49: {  	_ =	shalt  }
0x4a: {  	_ =	shalt  }
0x4b: {  	_ =	shalt  }
0x4c: {  	_ =	shalt  }
0x4d: {  	_ =	shalt  }
0x4e: {  	_ =	shalt  }
0x4f: {  	_ =	shalt  }
0x50: {  	_ =	shalt  }
0x51: {  	_ =	shalt  }
0x52: {  	_ =	shalt  }
0x53: {  	_ =	shalt  }
0x54: {  	_ =	shalt  }
0x55: {  	_ =	shalt  }
0x56: {  	_ =	shalt  }
0x57: {  	_ =	shalt  }
0x58: {  	_ =	shalt  }
0x59: {  	_ =	shalt  }
0x5a: {  	_ =	shalt  }
0x5b: {  	_ =	shalt  }
0x5c: {  	_ =	shalt  }
0x5d: {  	_ =	shalt  }
0x5e: {  	_ =	shalt  }
0x5f: {  	_ =	shalt  }
0x60: {  	_ =	shalt  }
0x61: {  	_ =	shalt  }
0x62: {  	_ =	shalt  }
0x63: {  	_ =	shalt  }
0x64: {  	_ =	shalt  }
0x65: {  	_ =	shalt  }
0x66: {  	_ =	shalt  }
0x67: {  	_ =	shalt  }
0x68: {  	_ =	shalt  }
0x69: {  	_ =	shalt  }
0x6a: {  	_ =	shalt  }
0x6b: {  	_ =	shalt  }
0x6c: {  	_ =	shalt  }
0x6d: {  	_ =	shalt  }
0x6e: {  	_ =	shalt  }
0x6f: {  	_ =	shalt  }
0x70: {  	_ =	shalt  }
0x71: {  	_ =	shalt  }
0x72: {  	_ =	shalt  }
0x73: {  	_ =	shalt  }
0x74: {  	_ =	shalt  }
0x75: {  	_ =	shalt  }
0x76: {  	_ =	shalt  }
0x77: {  	_ =	shalt  }
0x78: {  	_ =	shalt  }
0x79: {  	_ =	shalt  }
0x7a: {  	_ =	shalt  }
0x7b: {  	_ =	shalt  }
0x7c: {  	_ =	shalt  }
0x7d: {  	_ =	shalt  }
0x7e: {  	_ =	shalt  }
0x7f: {  	_ =	shalt  }
0x80: {  	_ =	shalt  }
0x81: {  	_ =	shalt  }
0x82: {  	_ =	shalt  }
0x83: {  	_ =	shalt  }
0x84: {  	_ =	shalt  }
0x85: {  	_ =	shalt  }
0x86: {  	_ =	shalt  }
0x87: {  	_ =	shalt  }
.Lfunc_end0:
.L_simem_size_0:
called_computation_lowered:
.L_overlay_start_0:
0x88: {  	s0 =	sld [smem:$0x3FD9]  }
0x89: {  	s1 =	sld [smem:$0x3FFE];
	_ =	sdelay $0x3  }
0x8a: {  	s0 =	sadd.s32 s1, s0  }
0x8b: {  	[smem:$0x3FBE] =	sst s0  }
0x8c: {  	_ = 	snop  }
0x8d: {  	(tm) =	ssettm $0x1  }
0x8e: {  	s15 =	sld [smem:$0x3FFB];
	_ =	sdelay $0x3  }
0x8f: {  	_ =	strace s15  }
0x90: {  	s0 =	sld [smem:$0x3FFC];
	_ =	sdelay $0x3  }
0x91: {  	_ =	strace s0  }
0x92: {  	s0 =	sld [smem:$0x3FFD];
	_ =	sdelay $0x3  }
0x93: {  	_ =	strace s0  }
0x94: {  	_ =	strace $0x8FFFFFFF  }
0x95: {  	s16 =	sld [smem:$0x3FDB];
	_ =	sdelay $0x1  }
0x96: {  	s17 =	simm.s32 $_scs_section_size  }
0x97: {  	s2 =	simm.s32 $_size__tile_overlayer_lowered;
	s3 =	simm.s32 $_tile_overlayer_lowered  }
0x98: {  	s20 =	simm.s32 $0x1BFF;
	s19 =	sshll.u32 s3, $0x1;
	s0 =	sadd.s32 s17, s16  }
0x99: {  	s4 =	simm.s32 $0x0;
	s18 =	sshll.u32 s2, $0x1;
	s2 =	sadd.s32 s19, s0  }
0x9a: {  	[timem:s4], [sflag:s20] =	dma.local [hbm:s2], s18  }
0x9b: {  	_ =	swait.ge [sflag:s20], s18  }
0x9c: {  	s1 =	ssub.s32 $0x0, s18;
	[sflag:s20] =	ssyncset.done $0x0  }
0x9d: {  	[sflag:s20] =	ssyncadd.s32 s1;
	_ =	sdelay $0x1  }
0x9e: {  	s21 =	simm.s32 $0x1B8B  }
0x9f: {  	_ =	swait.ge [sflag:s21], $0x1  }
0xa0: {  	[sflag:s21] =	ssyncset.done $0x0  }
0xa1: {  	s23 =	simm.s32 $0x1B8E;
	s22 =	sld [smem:$0x3FFE];
	[sflag:s21] =	ssyncadd.s32 $0xFFFFFFFF  }
0xa2: {  	s24 =	simm.s32 $execute0_lowered;
	[smem:$0x3FD2] =	sst s23  }
0xa3: {  	s2 =	sshll.u32 s24, $0x1;
	_ =	strace $0x80000046;
	[dreg:$0x1] =	wrdreg $0xFFFFFFFF  }
0xa4: {  	s25 =	simm.s32 $_size_execute0_lowered;
	s0 =	sadd.s32 s0, s2;
	[dreg:$0x0] =	wrdreg $0x0  }
0xa5: {  	s2 =	sshll.u32 s25, $0x1;
	[dreg:$0x2] =	wrdreg s0  }
0xa6: {  	[dreg:$0x3] =	wrdreg s2  }
0xa7: {  	[dreg:$0x4] =	wrdreg $0xC0  }
0xa8: {  	_ =	task [dreg:s4], $0x5FFFF  }
0xa9: {  	[dreg:$0x1] =	wrdreg $0xFFFFFFFF  }
0xaa: {  	[dreg:$0x0] =	wrdreg $0x60  }
0xab: {  	[dreg:$0x2] =	wrdreg s22  }
0xac: {  	[dreg:$0x3] =	wrdreg $0x0  }
0xad: {  	[dreg:$0x4] =	wrdreg $0x9  }
0xae: {  	_ =	task.clear_ibuf [dreg:s4], $0x5FFFF;
	_ =	strace $0x90000046  }
0xaf: {  	s26 =	simm.s32 $0x9;
	_ =	strace $0x80000048  }
0xb0: {  	_ =	swait.ge [sflag:s26], $0x1  }
0xb1: {  	[sflag:s26] =	ssyncadd.s32 $0xFFFFFFFF  }
0xb2: {  	_ =	strace $0x90000048  }
0xb3: {  	_ =	sfence  }
0xb4: {  	s28 =	sld [smem:$0x0];
	_ =	sdelay $0x1  }
0xb5: {  	s29 =	srdreg.scid  }
0xb6: {  	s30 =	sshll.u32 s29, $0xD;
	s31 =	sshrl.u32 s29, $0x2  }
0xb7: {  	s1 =	sand.u32 $0x1, s29;
	s2 =	sand.u32 $0x4000, s30;
	s0 =	sadd.s32 s31, s28  }
0xb8: {  	s1 =	sor.u32 s2, s1;
	s0 =	sshll.u32 s0, $0x11  }
0xb9: {  	s0 =	sor.u32 s0, s1  }
0xba: {  	s0 =	sadd.s32 $0x8F2B, s0  }
0xbb: {  	[sflag:s0] =	ssyncadd.remote.s32 $0x1  }
0xbc: {  	_ =	sfence.sel $0xFFFF  }
0xbd: {  	[dreg:$0x0] =	wrdreg $0xFFFFFFFF;
	(pc) =	sbr.abs _section_cstart, $3  }
0xbe: {  	[dreg:$0x1] =	wrdreg $0xFFFFFFFF  }
0xbf: {  	_ =	task.clear_ibuf [dreg:s4], $0x2FFFF;
	_ =	strace $0x9FFFFFFF  }
0xc0: {  	(tm) =	ssettm $0x7FFFFFFF  }
0xc1: {  	_ =	shalt  }
tec
execute0_lowered:
.L_overlay_start_1:
0x0: {  	(tag) =	ssettag $0x1  }
0x1: {  	s12 =	rddreg [dreg:$0x0]  }
0x2: {  	s2 =	rddreg [dreg:$0x1];
	s1 =	stileid.u32  }
0x3: {  	s0 =	rddreg [dreg:$0x2];
	s7 =	simm.s32 $0x0;
	s4 =	smul.u32 $0xC580, s1  }
0x4: {  	[smem:$0x7FF] =	sst s7;
	s26 =	sshll.u32 s1, $0x6  }
0x5: {  	s28 =	smul.u32 $0x9D0, s1;
	_ =	strace $0x80000047;
	s3 =	sshrl.u32 s4, $0x3  }
0x6: {  	s6 =	sadd.s32 s4, s2;
	s4 =	sor.u32 $0x1C03, s26;
	s5 =	sadd.s32 s3, s12  }
0x7: {  	s8 =	sadd.s32 $0x2D400, s5;
	s5 =	sshrl.u32 s6, $0x3;
	s6 =	simm.s32 $0x3  }
0x8: {  	[spmem:s5], [sflag:s4] =	dma.local [hbm:s8], $0x18B0  }
0x9: {  	_ =	swait.ge [sflag:s6], $0x18B0  }
0xa: {  	s8 =	sadd.s32 s28, s12;
	[sflag:s6] =	ssyncset.done $0x0  }
0xb: {  	s10 =	simm.s32 $0xC580;
	s9 =	sadd.s32 $0x23600, s8;
	[sflag:s6] =	ssyncadd.s32 $0xFFFFE750  }
0xc: {  	[tilespmem:s10], [sflag:$0x3] =	stream.linear.gather [hbm4b:s9+s7], $0x4E80, $0x38;
	[tilespmem:$0x1B280] =	vst v63  }
0xd: {  	_ =	swait.ge [sflag:s6], $0x4E80  }
0xe: {  	[sflag:s6] =	ssyncset.done $0x0  }
0xf: {  	s29 =	simm.s32 $0x11400;
	s8 =	sadd.s32 $0x19800, s8;
	[sflag:s6] =	ssyncadd.s32 $0xFFFFB180  }
0x10: {  	[tilespmem:s29], [sflag:$0x3] =	stream.linear.gather [hbm4b:s8+s7], $0x4E80, $0x38;
	[tilespmem:$0x1B280] =	vst v63  }
0x11: {  	_ =	swait.ge [sflag:s6], $0x4E80  }
0x12: {  	[sflag:s6] =	ssyncset.done $0x0  }
0x13: {  	s9 =	simm.s32 $0x16280;
	[sflag:s6] =	ssyncadd.s32 $0xFFFFB180  }
0x14: {  	s7 =	sadd.s32 $0x1000, s12;
	s8 =	simm.s32 $0x80;
	[bflag:$0x0] =	sbarrier.arrive $0xFFFF  }
0x15: {  	[tilespmem:s9], [sflag:$0x1] =	stream.indirect.gather [hbm4b:s7+s8], $0x50, s10, s8, $0xb8;
	[tilespmem:$0x1B280] =	vst v63  }
0x16: {  	s10 =	simm.s32 $0x1  }
0x17: {  	_ =	swait.ge [sflag:s10], $0x2800  }
0x18: {  	[sflag:s10] =	ssyncset.done $0x0  }
0x19: {  	s11 =	simm.s32 $0x18A80;
	s13 =	simm.s32 $0xC600;
	[sflag:s10] =	ssyncadd.s32 $0xFFFFD800  }
0x1a: {  	[tilespmem:s11], [sflag:$0x2] =	stream.indirect.gather [hbm4b:s7+s8], $0x50, s13, s8, $0xb8;
	[tilespmem:$0x1B280] =	vst v63  }
0x1b: {  	s30 =	simm.s32 $0x11400  }
0x1c: {  	[spmem:s2] =	stream.indirect.scatter.add.f32 [tilespmem:s9], [sflag:$0x3], $0x50, s30, s8, $0xb8;
	[tilespmem:$0x1B280] =	vst v63  }
0x1d: {  	_ =	swait.ge [sflag:s6], $0x2800  }
0x1e: {  	[sflag:s6] =	ssyncset.done $0x0  }
0x1f: {  	s13 =	simm.s32 $0x2;
	[sflag:s6] =	ssyncadd.s32 $0xFFFFD800  }
0x20: {  	_ =	swait.ge [sflag:s13], $0x2800  }
0x21: {  	[sflag:s13] =	ssyncset.done $0x0  }
0x22: {  	s14 =	simm.s32 $0xC680;
	[sflag:s13] =	ssyncadd.s32 $0xFFFFD800  }
0x23: {  	[tilespmem:s9], [sflag:$0x1] =	stream.indirect.gather [hbm4b:s7+s8], $0x50, s14, s8, $0xb8;
	[tilespmem:$0x1B280] =	vst v63  }
0x24: {  	s31 =	simm.s32 $0x11480  }
0x25: {  	[spmem:s2] =	stream.indirect.scatter.add.f32 [tilespmem:s11], [sflag:$0x3], $0x50, s31, s8, $0xb8;
	[tilespmem:$0x1B280] =	vst v63  }
0x26: {  	_ =	swait.ge [sflag:s6], $0x2800  }
0x27: {  	s12 =	sadd.s32 $0x46000, s12;
	s14 =	simm.s32 $0x400;
	[sflag:s6] =	ssyncset.done $0x0  }
.LBB2_1:
0x28: {  	p0 =	sne.s32 s14, $0x13400  }
0x29: {  	[sflag:s6] =	ssyncadd.s32 $0xFFFFD800;
	s15 =	smov.u32 s14;
	s14 =	sadd.s32 $0x400, s14  }
0x2a: {  	_ = 	snop  }
0x2b: {  	_ =	swait.ge [sflag:s10], $0x2800  }
0x2c: {  	s15 =	sshra.s32 s15, $0x2;
	[sflag:s10] =	ssyncset.done $0x0  }
0x2d: {  	s16 =	sadd.s32 $0xC600, s15;
	[sflag:s10] =	ssyncadd.s32 $0xFFFFD800  }
0x2e: {  	[tilespmem:s11], [sflag:$0x2] =	stream.indirect.gather [hbm4b:s7+s8], $0x50, s16, s8, $0xb8;
	[tilespmem:$0x1B280] =	vst v63  }
0x2f: {  	s16 =	sadd.s32 $0x11400, s15  }
0x30: {  	[spmem:s2] =	stream.indirect.scatter.add.f32 [tilespmem:s9], [sflag:$0x3], $0x50, s16, s8, $0xb8;
	[tilespmem:$0x1B280] =	vst v63  }
0x31: {  	_ =	swait.ge [sflag:s6], $0x2800  }
0x32: {  	[sflag:s6] =	ssyncset.done $0x0  }
0x33: {  	[sflag:s6] =	ssyncadd.s32 $0xFFFFD800  }
0x34: {  	_ =	swait.ge [sflag:s13], $0x2800  }
0x35: {  	[sflag:s13] =	ssyncset.done $0x0  }
0x36: {  	s16 =	sadd.s32 $0xC680, s15;
	[sflag:s13] =	ssyncadd.s32 $0xFFFFD800  }
0x37: {  	[tilespmem:s9], [sflag:$0x1] =	stream.indirect.gather [hbm4b:s7+s8], $0x50, s16, s8, $0xb8;
	[tilespmem:$0x1B280] =	vst v63  }
.Ltmp0:
0x38: {  	_ = 	snop;
	(pc) =	sbr.rel @p0 .LBB2_1-.Ltmp0, $4  }
0x39: {  	s15 =	sadd.s32 $0x11480, s15  }
0x3a: {  	[spmem:s2] =	stream.indirect.scatter.add.f32 [tilespmem:s11], [sflag:$0x3], $0x50, s15, s8, $0xb8;
	[tilespmem:$0x1B280] =	vst v63  }
0x3b: {  	_ =	swait.ge [sflag:s6], $0x2800  }
0x3c: {  	[sflag:s6] =	ssyncset.done $0x0  }
0x3d: {  	[sflag:s6] =	ssyncadd.s32 $0xFFFFD800;
	s29 =	simm.s32 $0x1  }
0x3e: {  	_ =	swait.ge [sflag:s29], $0x2800  }
0x3f: {  	s30 =	simm.s32 $0x80;
	s7 =	simm.s32 $0x16200;
	[sflag:s29] =	ssyncset.done $0x0  }
0x40: {  	s8 =	simm.s32 $0x16280;
	s31 =	simm.s32 $0x3;
	[sflag:s29] =	ssyncadd.s32 $0xFFFFD800  }
0x41: {  	[spmem:s2] =	stream.indirect.scatter.add.f32 [tilespmem:s8], [sflag:$0x3], $0x50, s7, s30, $0xb8;
	[tilespmem:$0x1B280] =	vst v63  }
0x42: {  	_ =	swait.ge [sflag:s31], $0x2800  }
0x43: {  	[sflag:s31] =	ssyncset.done $0x0  }
0x44: {  	[sflag:s31] =	ssyncadd.s32 $0xFFFFD800  }
0x45: {  	s3 =	sadd.s32 s12, s3;
	[bflag:$0x0] =	sbarrier.arrive $0xFFFF  }
0x46: {  	[hbm:s3], [sflag:s4] =	dma.local [spmem:s5], $0x18B0  }
0x47: {  	_ =	swait.ge [sflag:s31], $0x18B0  }
0x48: {  	[sflag:s31] =	ssyncset.done $0x0  }
0x49: {  	[sflag:s31] =	ssyncadd.s32 $0xFFFFE750  }
0x4a: {  	_ =	sfence.sel $0x180000  }
0x4b: {  	[bflag:$0x0] =	sbarrier.arrive $0xFFFF  }
0x4c: {  	p0 =	sne.s32 s1, $0x0;
	_ =	strace $0x90000047  }
0x4d: {  	s0 =	sadd.s32 @!p0 $0x100000, s0;
	[bflag:$0x2] =	sbarrier.arrive $0xFFFF  }
0x4e: {  	[sflag:s0] =	ssyncadd.tile.s32 @!p0 $0x1;
	_ =	shalt  }
.Lfunc_end2:
_tile_overlayer_lowered:
.L_overlay_start_2:
0x4f: {  	(tag) =	ssettag $0x2  }
0x50: {  	s0 =	rddreg [dreg:$0x0];
	s2 =	stileid.u32  }
0x51: {  	s1 =	rddreg [dreg:$0x1];
	p0 =	sne.s32 s2, $0x0  }
0x52: {  	s3 =	rddreg [dreg:$0x2];
	[bflag:$0x3] =	sbarrier.arrive $0xFFFF;
	s2 =	simm.s32 @!p0 $0x1C03  }
0x53: {  	[timem:s3], [sflag:s2] =	dma.local @!p0 [hbm:s0], s1  }
0x54: {  	s0 =	simm.s32 @!p0 $0x3  }
0x55: {  	_ =	swait.ge @!p0 [sflag:s0], s1  }
0x56: {  	s1 =	ssub.s32 @!p0 $0x0, s1;
	[sflag:s0] =	ssyncset.done @!p0 $0x0  }
0x57: {  	[sflag:s0] =	ssyncadd.s32 @!p0 s1  }
0x58: {  	[bflag:$0x3] =	sbarrier.arrive $0xFFFF  }
0x59: {  	_ =	shalt  }

</sc_bundles>
